<compile_context>
chip_gen: v7x
topology: tpu7x:2x2x1
jax: 0.10.2.dev20260603
libtpu: 0.0.44.dev20260713+nightly
codegen_flags: <defaults>
</compile_context>

<pallas_src>
import functools

import jax
import jax.numpy as jnp
from jax import lax
from jax.experimental import pallas as pl
from jax.experimental.pallas import tpu as pltpu
from jax.experimental.pallas import tpu_sc as plsc

_W = 80
_NBUF = 2


def _sc_aggregate(feat2, send, recv, n):
    dc = feat2.shape[1]
    e = send.shape[0]
    epw = e // 16
    nwin = epw // _W
    rps = 640
    npad = 16 * rps
    zr = 128
    nz = rps // zr
    last_rows = n - 15 * rps

    mesh = plsc.VectorSubcoreMesh(core_axis_name="c", subcore_axis_name="s")

    @functools.partial(
        pl.kernel,
        out_type=jax.ShapeDtypeStruct((2, n, dc), jnp.float32),
        mesh=mesh,
        scratch_types=[
            pltpu.VMEM((epw,), jnp.int32),
            pltpu.VMEM((nwin, _W), jnp.int32),
            pltpu.VMEM((2 * _NBUF, _W, dc), jnp.float32),
            pltpu.VMEM((zr, dc), jnp.float32),
            pltpu.VMEM_SHARED((npad, dc), jnp.float32),
        ] + [pltpu.SemaphoreType.DMA] * 4,
        compiler_params=pltpu.CompilerParams(use_tc_tiling_on_sc=False),
    )
    def agg_kernel(feat_hbm, send_hbm, recv_hbm, out_hbm,
                   sall, rall, rows, zbuf, acc, gsem0, gsem1, ssem0, ssem1):
        gsem = (gsem0, gsem1)
        ssem = (ssem0, ssem1)
        cid = lax.axis_index("c")
        sid = lax.axis_index("s")

        @pl.loop(0, zr)
        def _(r):
            @pl.loop(0, dc, step=16)
            def _(c0):
                zbuf[r, pl.ds(c0, 16)] = jnp.zeros((16,), jnp.float32)

        @pl.loop(0, nz)
        def _(j):
            pltpu.sync_copy(zbuf, acc.at[pl.ds(sid * rps + j * zr, zr)])

        plsc.subcore_barrier()

        base = sid * epw
        pltpu.sync_copy(send_hbm.at[pl.ds(base, epw)], sall)
        pltpu.sync_copy(recv_hbm.at[sid], rall)

        @pl.when(cid == 1)
        def _():
            @pl.loop(0, epw, step=16)
            def _(i):
                sall[pl.ds(i, 16)] = sall[pl.ds(i, 16)] + n

        def issue_group(a, q):
            for b in range(_NBUF):
                w = q * _NBUF + b
                pltpu.async_copy(
                    feat_hbm.at[sall.at[pl.ds(w * _W, _W)]],
                    rows.at[a * _NBUF + b], gsem[a])

        def process_group(a, q):
            for b in range(_NBUF):
                w = q * _NBUF + b
                pltpu.make_async_copy(
                    feat_hbm.at[sall.at[pl.ds(w * _W, _W)]],
                    rows.at[a * _NBUF + b], gsem[a]).wait()
            for b in range(_NBUF):
                w = q * _NBUF + b
                pltpu.async_copy(rows.at[a * _NBUF + b], acc.at[rall.at[w]],
                                 ssem[a], add=True)
            for b in range(_NBUF):
                w = q * _NBUF + b
                pltpu.make_async_copy(rows.at[a * _NBUF + b],
                                      acc.at[rall.at[w]], ssem[a]).wait()

        nq = nwin // _NBUF
        assert nq % 2 == 1
        issue_group(0, 0)

        @pl.loop(0, nq - 1, step=2)
        def _(q):
            issue_group(1, q + 1)
            process_group(0, q)
            issue_group(0, q + 2)
            process_group(1, q + 1)

        process_group(0, nq - 1)

        plsc.subcore_barrier()

        @pl.when(sid < 15)
        def _():
            pltpu.sync_copy(acc.at[pl.ds(sid * rps, rps)],
                            out_hbm.at[cid, pl.ds(sid * rps, rps)])

        @pl.when(sid == 15)
        def _():
            pltpu.sync_copy(acc.at[pl.ds(15 * rps, last_rows)],
                            out_hbm.at[cid, pl.ds(15 * rps, last_rows)])

    return agg_kernel(feat2, send, recv.reshape(16, nwin, _W))


_BITONIC_STAGES = [(2, 1), (4, 2), (4, 1), (8, 4), (8, 2), (8, 1),
                   (16, 8), (16, 4), (16, 2), (16, 1)]


def _dense_body(part_ref, oh_ref, ohp_ref, ppp_ref,
                A1_ref, cb1t_ref, A2_ref, cb2t_ref,
                A3_ref, lb_ref, W1Ta_ref, W1Tb_ref,
                b1r_ref, gam_ref, bet_ref, W2T_ref, b2r_ref,
                out_h_ref, out_oh_ref, *, n, dx, l):

    agg_x = jnp.concatenate([part_ref[0], part_ref[1][:, :dx - 80]], axis=1)
    new_oh = part_ref[1][:, dx - 80:dx - 80 + l] + oh_ref[...]
    out_oh_ref[...] = new_oh

    vp = ohp_ref[...] + ppp_ref[...]
    li = lax.broadcasted_iota(jnp.int32, (1, 128), 1) & 15
    for k, jj in _BITONIC_STAGES:
        zc = jnp.zeros((n // 8, jj), jnp.float32)
        up = jnp.concatenate([vp[:, jj:], zc], axis=1)
        dn = jnp.concatenate([zc, vp[:, :128 - jj]], axis=1)
        is_lo = (li & jj) == 0
        pv = jnp.where(is_lo, up, dn)
        keep_min = is_lo == ((li & k) == 0)
        vp = jnp.where(keep_min, jnp.minimum(vp, pv),
                       jnp.maximum(vp, pv))
    s = jnp.concatenate(
        [vp[:, None, j * l:(j + 1) * l] for j in range(8)],
        axis=1).reshape(n, l)

    h1f = jnp.maximum(
        jnp.dot(s, A1_ref[...],
                preferred_element_type=jnp.float32) + cb1t_ref[...], 0.0)
    h2f = jnp.maximum(
        jnp.dot(h1f, A2_ref[...],
                preferred_element_type=jnp.float32) + cb2t_ref[...], 0.0)
    res = jnp.dot(h2f, A3_ref[...],
                  preferred_element_type=jnp.float32) + lb_ref[...]

    hb = (jnp.dot(agg_x, W1Ta_ref[...],
                  preferred_element_type=jnp.float32)
          + jnp.dot(res, W1Tb_ref[...],
                    preferred_element_type=jnp.float32)
          + b1r_ref[...])

    mu = jnp.sum(hb, axis=0, keepdims=True) / n
    var = jnp.sum(hb * hb, axis=0, keepdims=True) / n - mu * mu
    rs = lax.rsqrt(var + 1e-5)
    hn = jnp.maximum((hb - mu) * rs * gam_ref[...] + bet_ref[...], 0.0)
    out_h_ref[...] = (jnp.dot(hn, W2T_ref[...],
                              preferred_element_type=jnp.float32)
                      + b2r_ref[...])


def _dense_call(partial, onehots, A1, cb1t, A2, cb2t, A3, lb,
                W1Ta, W1Tb, b1r, gam, bet, W2T, b2r, interpret=False):
    n, l = onehots.shape
    dx = 128
    ohp = onehots.reshape(n // 8, 8 * l)
    ppp = partial[1, :, dx - 80:dx - 80 + l].reshape(n // 8, 8 * l)

    body = functools.partial(_dense_body, n=n, dx=dx, l=l)
    return pl.pallas_call(
        body,
        out_shape=[
            jax.ShapeDtypeStruct((n, dx), jnp.float32),
            jax.ShapeDtypeStruct((n, l), jnp.float32),
        ],
        interpret=interpret,
    )(partial, onehots, ohp, ppp, A1, cb1t, A2, cb2t, A3, lb,
      W1Ta, W1Tb, b1r, gam, bet, W2T, b2r)


def kernel(x, onehots, edge_index, batch_sample_indices, n_sample_nodes, adjs,
           conv1_w, conv1_b, conv2_w, conv2_b, lin16_w, lin16_b,
           W1, b1, bn_gamma, bn_beta, W2, b2):
    n, dx = x.shape
    l = onehots.shape[1]

    fa = x[:, :80]
    fb = jnp.concatenate(
        [x[:, 80:], onehots, jnp.zeros((n, 160 - dx - l), jnp.float32)],
        axis=1)
    feat2 = jnp.concatenate([fa, fb], axis=0)
    send = edge_index[0]
    recv = edge_index[1]
    partial = _sc_aggregate(feat2, send, recv, n)

    eyes = [jnp.eye(l, k=1 - k, dtype=jnp.float32) for k in range(3)]
    A1 = sum(eyes[k][:, :, None] * conv1_w[:, 0, k][None, None, :]
             for k in range(3)).reshape(l, l * 8)
    cb1t = jnp.tile(conv1_b, (l,)).reshape(1, l * 8)
    A2 = sum(eyes[k][:, None, :, None]
             * jnp.transpose(conv2_w[:, :, k])[None, :, None, :]
             for k in range(3)).reshape(l * 8, l * 16)
    cb2t = jnp.tile(conv2_b, (l,)).reshape(1, l * 16)
    A3 = jnp.tile(lin16_w.T / l, (l, 1))
    lb = lin16_b.reshape(1, 8)
    W1Ta = W1[:, :dx].T
    W1Tb = W1[:, dx:].T
    b1r = b1.reshape(1, dx)
    gam = bn_gamma.reshape(1, dx)
    bet = bn_beta.reshape(1, dx)
    W2T = W2.T
    b2r = b2.reshape(1, dx)

    h, new_oh = _dense_call(partial, onehots, A1, cb1t, A2, cb2t, A3, lb,
                            W1Ta, W1Tb, b1r, gam, bet, W2T, b2r)
    return (h, new_oh)

# --- scband reference (transcript-rebuilt; emitter-appended) ---
"""Pipeline reference for scband-isomporphism-one-hot-conv-56839597195350 (READ-ONLY COPY).

The authoritative reference and input builder live on the scoring server;
editing this copy changes nothing except your own understanding.
"""

import jax, jax.numpy as jnp
import numpy as np

N, E, D, L, OHC = 10000, 320000, 128, 16, 8


def setup_inputs(seed: int = 0) -> dict:
    key = jax.random.key(seed)
    ks = jax.random.split(key, 16)
    x = jax.random.normal(ks[0], (N, D), dtype=jnp.float32)
    onehots = jax.random.uniform(ks[1], (N, L), dtype=jnp.float32)
    edge_index = jax.random.randint(ks[2], (2, E), 0, N, dtype=jnp.int32)
    batch_sample_indices = jnp.zeros((N,), dtype=jnp.int32)
    n_sample_nodes = jnp.array([N], dtype=jnp.int32)
    adjs = edge_index  # single graph: per-graph adjacency equals the batched edge_index

    def u(k, shape, fan_in):
        b = 1.0 / np.sqrt(fan_in)
        return jax.random.uniform(k, shape, minval=-b, maxval=b, dtype=jnp.float32)

    conv1_w = u(ks[3], (8, 1, 3), 3)
    conv1_b = u(ks[4], (8,), 3)
    conv2_w = u(ks[5], (16, 8, 3), 24)
    conv2_b = u(ks[6], (16,), 24)
    lin16_w = u(ks[7], (OHC, 16), 16)
    lin16_b = u(ks[8], (OHC,), 16)
    W1 = u(ks[9], (D, D + OHC), D + OHC)
    b1 = u(ks[10], (D,), D + OHC)
    bn_gamma = jnp.ones((D,), dtype=jnp.float32)
    bn_beta = jnp.zeros((D,), dtype=jnp.float32)
    W2 = u(ks[11], (D, D), D)
    b2 = u(ks[12], (D,), D)
    return {"x": x, "onehots": onehots, "edge_index": edge_index,
            "batch_sample_indices": batch_sample_indices, "n_sample_nodes": n_sample_nodes,
            "adjs": adjs, "conv1_w": conv1_w, "conv1_b": conv1_b, "conv2_w": conv2_w,
            "conv2_b": conv2_b, "lin16_w": lin16_w, "lin16_b": lin16_b, "W1": W1, "b1": b1,
            "bn_gamma": bn_gamma, "bn_beta": bn_beta, "W2": W2, "b2": b2}


def _onehot_pipe(oh, conv1_w, conv1_b, conv2_w, conv2_b, lin16_w, lin16_b):
    s = jnp.sort(oh, axis=-1)[:, None, :]  # [N, 1, L]
    h = jax.lax.conv_general_dilated(s, conv1_w, (1,), [(1, 1)],
                                     dimension_numbers=('NCH', 'OIH', 'NCH')) + conv1_b[None, :, None]
    h = jax.nn.relu(h)
    h = jax.lax.conv_general_dilated(h, conv2_w, (1,), [(1, 1)],
                                     dimension_numbers=('NCH', 'OIH', 'NCH')) + conv2_b[None, :, None]
    h = jax.nn.relu(h)
    h = jnp.mean(h, axis=-1)  # AdaptiveAvgPool1d(1) + Flatten -> [N, 16]
    return h @ lin16_w.T + lin16_b  # [N, 8]


def reference(x, onehots, edge_index, batch_sample_indices, n_sample_nodes, adjs,
              conv1_w, conv1_b, conv2_w, conv2_b, lin16_w, lin16_b,
              W1, b1, bn_gamma, bn_beta, W2, b2):
    onehots_list = [onehots]
    adjs_list = [adjs]
    send, recv = edge_index[0], edge_index[1]
    # propagate: gather along edges
    selected_x = jnp.take(x, send, axis=0)
    selected_oh = [jnp.take(oh, a[0], axis=0) for oh, a in zip(onehots_list, adjs_list)]
    # aggregate: scatter-add into destination nodes
    agg_x = jax.ops.segment_sum(selected_x, recv, num_segments=x.shape[0])
    agg_oh = [jax.ops.segment_sum(so, a[1], num_segments=oh.shape[0])
              for so, a, oh in zip(selected_oh, adjs_list, onehots_list)]
    # update: residual add of onehots
    new_oh = [a + o for a, o in zip(agg_oh, onehots_list)]
    # one_hot_mode == 'conv': sort + conv pipe per graph, then vstack
    res = jnp.vstack([_onehot_pipe(oh, conv1_w, conv1_b, conv2_w, conv2_b, lin16_w, lin16_b)
                      for oh in new_oh])
    xo = jnp.hstack((agg_x, res))  # [N, D + OHC]
    # mlp: Linear -> BatchNorm1d (training-mode batch stats) -> ReLU -> Linear
    h = xo @ W1.T + b1
    mu = jnp.mean(h, axis=0)
    var = jnp.var(h, axis=0)
    h = (h - mu) / jnp.sqrt(var + 1e-5) * bn_gamma + bn_beta
    h = jax.nn.relu(h)
    h = h @ W2.T + b2
    return (h, new_oh[0])

if __name__ == "__main__":
    import jax
    _d = setup_inputs()
    print(jax.jit(kernel)(*tuple(_d.values())))

</pallas_src>

<mosaic_0001>
#map = affine_map<(d0, d1) -> (0, 0)>
#map1 = affine_map<(d0, d1) -> (0)>
#map2 = affine_map<(d0, d1) -> (0, 0, 0)>
module attributes {stable_mosaic.version = 14 : i64} {
  func.func @agg_kernel(%arg0: i32, %arg1: i32, %arg2: memref<20000x80xf32, #tpu.memory_space<hbm>>, %arg3: memref<320000xi32, #tpu.memory_space<hbm>>, %arg4: memref<16x250x80xi32, #tpu.memory_space<hbm>>, %arg5: memref<2x10000x80xf32, #tpu.memory_space<hbm>>, %arg6: memref<20000xi32, #tpu.memory_space<vmem>>, %arg7: memref<250x80xi32, #tpu.memory_space<vmem>>, %arg8: memref<4x80x80xf32, #tpu.memory_space<vmem>>, %arg9: memref<128x80xf32, #tpu.memory_space<vmem>>, %arg10: memref<10240x80xf32, #tpu.memory_space<vmem_shared>>, %arg11: memref<!tpu.dma_semaphore, #tpu.memory_space<semaphore_mem>>, %arg12: memref<!tpu.dma_semaphore, #tpu.memory_space<semaphore_mem>>, %arg13: memref<!tpu.dma_semaphore, #tpu.memory_space<semaphore_mem>>, %arg14: memref<!tpu.dma_semaphore, #tpu.memory_space<semaphore_mem>>) attributes {dimension_semantics = [#tpu.dimension_semantics<core_parallel>, #tpu.dimension_semantics<subcore_parallel>], iteration_bounds = array<i64: 2, 16>, scalar_prefetch = 0 : i64, scratch_operands = 9 : i64, tpu.core_type = #tpu.core_type<sc_vector_subcore>, window_params = [{transform_indices = #map}, {transform_indices = #map1}, {transform_indices = #map2}, {transform_indices = #map2}]} {
    %scan3A = arith.constant 0 : i32
    %scan3A_0 = arith.constant 128 : i32
    %scan3A_1 = arith.addi %scan3A, %scan3A_0 : i32
    %scan3A_2 = arith.constant 1 : i32
    scf.for %scan3A_113 = %scan3A to %scan3A_1 step %scan3A_2  : i32 {
      %mul3A_114 = arith.constant 1 : i32
      %mul3A_115 = arith.muli %scan3A_113, %mul3A_114 : i32
      %add3A = arith.constant 0 : i32
      %add3A_116 = arith.addi %add3A, %mul3A_115 : i32
      %scan3A_117 = arith.constant 0 : i32
      %scan3A_118 = arith.constant 5 : i32
      %scan3A_119 = arith.addi %scan3A_117, %scan3A_118 : i32
      %scan3A_120 = arith.constant 1 : i32
      scf.for %scan3A_122 = %scan3A_117 to %scan3A_119 step %scan3A_120  : i32 {
        %mul3A_123 = arith.constant 16 : i32
        %mul3A_124 = arith.muli %scan3A_122, %mul3A_123 : i32
        %add3A_125 = arith.constant 0 : i32
        %add3A_126 = arith.addi %add3A_125, %mul3A_124 : i32
        %broadcast_in_dim3A = arith.constant 0.000000e+00 : f32
        %broadcast_in_dim3A_127 = vector.broadcast %broadcast_in_dim3A : f32 to vector<16xf32>
        %swap3A = arith.index_cast %add3A_116 : i32 to index
        %swap3A_128 = arith.index_cast %add3A_126 : i32 to index
        %swap3A_129 = tpu.vector_load %arg9[%swap3A, %swap3A_128] {strides = array<i32>} : memref<128x80xf32, #tpu.memory_space<vmem>>, vector<1x16xf32>,
        %swap3A_130 = vector.shape_cast %swap3A_129 : vector<1x16xf32> to vector<16xf32>
        %swap3A_131 = vector.shape_cast %broadcast_in_dim3A_127 : vector<16xf32> to vector<1x16xf32>
        tpu.vector_store %arg9[%swap3A, %swap3A_128], %swap3A_131 {strides = array<i32>} : memref<128x80xf32, #tpu.memory_space<vmem>>, vector<1x16xf32>,
      }
      %scan3A_121 = arith.constant 5 : i32
    }
    %scan3A_3 = arith.constant 128 : i32
    %scan3A_4 = arith.constant 0 : i32
    %scan3A_5 = arith.constant 5 : i32
    %scan3A_6 = arith.addi %scan3A_4, %scan3A_5 : i32
    %scan3A_7 = arith.constant 1 : i32
    scf.for %scan3A_113 = %scan3A_4 to %scan3A_6 step %scan3A_7  : i32 {
      %mul3A_114 = arith.constant 1 : i32
      %mul3A_115 = arith.muli %scan3A_113, %mul3A_114 : i32
      %add3A = arith.constant 0 : i32
      %add3A_116 = arith.addi %add3A, %mul3A_115 : i32
      %mul3A_117 = arith.constant 640 : i32
      %mul3A_118 = arith.muli %arg1, %mul3A_117 : i32
      %mul3A_119 = arith.constant 128 : i32
      %mul3A_120 = arith.muli %add3A_116, %mul3A_119 : i32
      %add3A_121 = arith.addi %mul3A_118, %mul3A_120 : i32
      "tpu.region"() ({
        %run_scoped3A = tpu.sem_alloc : memref<!tpu.dma_semaphore, #tpu.memory_space<semaphore_mem>>
        %dma_start3A_122 = arith.constant 0 : i32
        %dma_start3A_123 = tpu.memref_slice %arg10[%add3A_121, %dma_start3A_122] : memref<10240x80xf32, #tpu.memory_space<vmem_shared>> -> memref<128x80xf32, #tpu.memory_space<vmem_shared>>
        %dma_start3A_124 = arith.constant 0 : i32
        %dma_start3A_125 = tpu.memref_slice %arg10[%add3A_121, %dma_start3A_124] : memref<10240x80xf32, #tpu.memory_space<vmem_shared>> -> memref<128x80xf32, #tpu.memory_space<vmem_shared>>
        tpu.enqueue_dma source(%arg9 : memref<128x80xf32, #tpu.memory_space<vmem>>) target(%dma_start3A_125 : memref<128x80xf32, #tpu.memory_space<vmem_shared>>) target_semaphore(%run_scoped3A : memref<!tpu.dma_semaphore, #tpu.memory_space<semaphore_mem>>)
        %dma_wait3A_126 = arith.constant 0 : i32
        %dma_wait3A_127 = tpu.memref_slice %arg10[%add3A_121, %dma_wait3A_126] : memref<10240x80xf32, #tpu.memory_space<vmem_shared>> -> memref<128x80xf32, #tpu.memory_space<vmem_shared>>
        %dma_wait3A_128 = arith.constant 0 : i32
        %dma_wait3A_129 = tpu.memref_slice %arg10[%add3A_121, %dma_wait3A_128] : memref<10240x80xf32, #tpu.memory_space<vmem_shared>> -> memref<128x80xf32, #tpu.memory_space<vmem_shared>>
        tpu.wait_dma2 semaphore(%run_scoped3A : memref<!tpu.dma_semaphore, #tpu.memory_space<semaphore_mem>>) src(%arg9 : memref<128x80xf32, #tpu.memory_space<vmem>>) dst(%dma_wait3A_129 : memref<128x80xf32, #tpu.memory_space<vmem_shared>>)
        tpu.yield
      }) : () -> ()
    }
    %scan3A_8 = arith.constant 5 : i32
    %barrier3A = arith.constant 0 : index
    tpu.barrier barrier_id(%barrier3A)
    %mul3A = arith.constant 20000 : i32
    %mul3A_9 = arith.muli %arg1, %mul3A : i32
    "tpu.region"() ({
      %run_scoped3A = tpu.sem_alloc : memref<!tpu.dma_semaphore, #tpu.memory_space<semaphore_mem>>
      %dma_start3A_113 = tpu.memref_slice %arg3[%mul3A_9] : memref<320000xi32, #tpu.memory_space<hbm>> -> memref<20000xi32, #tpu.memory_space<hbm>>
      %dma_start3A_114 = tpu.memref_slice %arg3[%mul3A_9] : memref<320000xi32, #tpu.memory_space<hbm>> -> memref<20000xi32, #tpu.memory_space<hbm>>
      tpu.enqueue_dma source(%dma_start3A_114 : memref<20000xi32, #tpu.memory_space<hbm>>) target(%arg6 : memref<20000xi32, #tpu.memory_space<vmem>>) target_semaphore(%run_scoped3A : memref<!tpu.dma_semaphore, #tpu.memory_space<semaphore_mem>>)
      %dma_wait3A_115 = tpu.memref_slice %arg3[%mul3A_9] : memref<320000xi32, #tpu.memory_space<hbm>> -> memref<20000xi32, #tpu.memory_space<hbm>>
      %dma_wait3A_116 = tpu.memref_slice %arg3[%mul3A_9] : memref<320000xi32, #tpu.memory_space<hbm>> -> memref<20000xi32, #tpu.memory_space<hbm>>
      tpu.wait_dma2 semaphore(%run_scoped3A : memref<!tpu.dma_semaphore, #tpu.memory_space<semaphore_mem>>) src(%dma_wait3A_116 : memref<20000xi32, #tpu.memory_space<hbm>>) dst(%arg6 : memref<20000xi32, #tpu.memory_space<vmem>>)
      tpu.yield
    }) : () -> ()
    "tpu.region"() ({
      %run_scoped3A = tpu.sem_alloc : memref<!tpu.dma_semaphore, #tpu.memory_space<semaphore_mem>>
      %dma_start3A_113 = arith.constant 0 : i32
      %dma_start3A_114 = arith.constant 0 : i32
      %dma_start3A_115 = tpu.memref_slice %arg4[%arg1, %dma_start3A_113, %dma_start3A_114] : memref<16x250x80xi32, #tpu.memory_space<hbm>> -> memref<1x250x80xi32, #tpu.memory_space<hbm>>
      %dma_start3A_116 = tpu.memref_squeeze %dma_start3A_115 : memref<1x250x80xi32, #tpu.memory_space<hbm>> -> memref<250x80xi32, #tpu.memory_space<hbm>>
      %dma_start3A_117 = arith.constant 0 : i32
      %dma_start3A_118 = arith.constant 0 : i32
      %dma_start3A_119 = tpu.memref_slice %arg4[%arg1, %dma_start3A_117, %dma_start3A_118] : memref<16x250x80xi32, #tpu.memory_space<hbm>> -> memref<1x250x80xi32, #tpu.memory_space<hbm>>
      %dma_start3A_120 = tpu.memref_squeeze %dma_start3A_119 : memref<1x250x80xi32, #tpu.memory_space<hbm>> -> memref<250x80xi32, #tpu.memory_space<hbm>>
      tpu.enqueue_dma source(%dma_start3A_120 : memref<250x80xi32, #tpu.memory_space<hbm>>) target(%arg7 : memref<250x80xi32, #tpu.memory_space<vmem>>) target_semaphore(%run_scoped3A : memref<!tpu.dma_semaphore, #tpu.memory_space<semaphore_mem>>)
      %dma_wait3A_121 = arith.constant 0 : i32
      %dma_wait3A_122 = arith.constant 0 : i32
      %dma_wait3A_123 = tpu.memref_slice %arg4[%arg1, %dma_wait3A_121, %dma_wait3A_122] : memref<16x250x80xi32, #tpu.memory_space<hbm>> -> memref<1x250x80xi32, #tpu.memory_space<hbm>>
      %dma_wait3A_124 = tpu.memref_squeeze %dma_wait3A_123 : memref<1x250x80xi32, #tpu.memory_space<hbm>> -> memref<250x80xi32, #tpu.memory_space<hbm>>
      %dma_wait3A_125 = arith.constant 0 : i32
      %dma_wait3A_126 = arith.constant 0 : i32
      %dma_wait3A_127 = tpu.memref_slice %arg4[%arg1, %dma_wait3A_125, %dma_wait3A_126] : memref<16x250x80xi32, #tpu.memory_space<hbm>> -> memref<1x250x80xi32, #tpu.memory_space<hbm>>
      %dma_wait3A_128 = tpu.memref_squeeze %dma_wait3A_127 : memref<1x250x80xi32, #tpu.memory_space<hbm>> -> memref<250x80xi32, #tpu.memory_space<hbm>>
      tpu.wait_dma2 semaphore(%run_scoped3A : memref<!tpu.dma_semaphore, #tpu.memory_space<semaphore_mem>>) src(%dma_wait3A_128 : memref<250x80xi32, #tpu.memory_space<hbm>>) dst(%arg7 : memref<250x80xi32, #tpu.memory_space<vmem>>)
      tpu.yield
    }) : () -> ()
    %eq3A = arith.constant 1 : i32
    %eq3A_10 = arith.cmpi eq, %arg0, %eq3A : i32
    %convert_element_type3A = arith.extui %eq3A_10 : i1 to i32
    %cond3A = arith.constant 0 : i32
    %cond3A_11 = arith.cmpi ne, %convert_element_type3A, %cond3A : i32
    scf.if %cond3A_11 {
      %scan3A_113 = arith.constant 0 : i32
      %scan3A_114 = arith.constant 1250 : i32
      %scan3A_115 = arith.addi %scan3A_113, %scan3A_114 : i32
      %scan3A_116 = arith.constant 1 : i32
      scf.for %scan3A_118 = %scan3A_113 to %scan3A_115 step %scan3A_116  : i32 {
        %mul3A_119 = arith.constant 16 : i32
        %mul3A_120 = arith.muli %scan3A_118, %mul3A_119 : i32
        %add3A = arith.constant 0 : i32
        %add3A_121 = arith.addi %add3A, %mul3A_120 : i32
        %get3A = arith.index_cast %add3A_121 : i32 to index
        %get3A_122 = tpu.vector_load %arg6[%get3A] {strides = array<i32>} : memref<20000xi32, #tpu.memory_space<vmem>>, vector<16xi32>,
        %get3A_123 = vector.shape_cast %get3A_122 : vector<16xi32> to vector<16xi32>
        %add3A_124 = arith.constant 10000 : i32
        %add3A_125 = vector.broadcast %add3A_124 : i32 to vector<16xi32>
        %add3A_126 = arith.addi %get3A_123, %add3A_125 : vector<16xi32>
        %swap3A = arith.index_cast %add3A_121 : i32 to index
        %swap3A_127 = tpu.vector_load %arg6[%swap3A] {strides = array<i32>} : memref<20000xi32, #tpu.memory_space<vmem>>, vector<16xi32>,
        %swap3A_128 = vector.shape_cast %swap3A_127 : vector<16xi32> to vector<16xi32>
        %swap3A_129 = vector.shape_cast %add3A_126 : vector<16xi32> to vector<16xi32>
        tpu.vector_store %arg6[%swap3A], %swap3A_129 {strides = array<i32>} : memref<20000xi32, #tpu.memory_space<vmem>>, vector<16xi32>,
      }
      %scan3A_117 = arith.constant 1250 : i32
    } else {
    }
    %dma_start3A = arith.constant 0 : i32
    %dma_start3A_12 = arith.constant 0 : i32
    %dma_start3A_13 = arith.constant 0 : i32
    %dma_start3A_14 = tpu.memref_slice %arg8[%dma_start3A, %dma_start3A_12, %dma_start3A_13] : memref<4x80x80xf32, #tpu.memory_space<vmem>> -> memref<1x80x80xf32, #tpu.memory_space<vmem>>
    %dma_start3A_15 = tpu.memref_squeeze %dma_start3A_14 : memref<1x80x80xf32, #tpu.memory_space<vmem>> -> memref<80x80xf32, #tpu.memory_space<vmem>>
    %dma_start3A_16 = arith.constant 0 : i32
    %dma_start3A_17 = tpu.memref_slice %arg6[%dma_start3A_16] : memref<20000xi32, #tpu.memory_space<vmem>> -> memref<80xi32, #tpu.memory_space<vmem>>
    %dma_start3A_18 = arith.constant 0 : i32
    %dma_start3A_19 = arith.constant 0 : i32
    %dma_start3A_20 = tpu.memref_slice %arg2[%dma_start3A_18, %dma_start3A_19] : memref<20000x80xf32, #tpu.memory_space<hbm>> -> memref<20000x80xf32, #tpu.memory_space<hbm>>
    tpu.enqueue_indirect_dma source(%dma_start3A_20 : memref<20000x80xf32, #tpu.memory_space<hbm>>) target(%dma_start3A_15 : memref<80x80xf32, #tpu.memory_space<vmem>>) offsets(%dma_start3A_17 : memref<80xi32, #tpu.memory_space<vmem>>) semaphore(%arg11 : memref<!tpu.dma_semaphore, #tpu.memory_space<semaphore_mem>>)
    %dma_start3A_21 = arith.constant 1 : i32
    %dma_start3A_22 = arith.constant 0 : i32
    %dma_start3A_23 = arith.constant 0 : i32
    %dma_start3A_24 = tpu.memref_slice %arg8[%dma_start3A_21, %dma_start3A_22, %dma_start3A_23] : memref<4x80x80xf32, #tpu.memory_space<vmem>> -> memref<1x80x80xf32, #tpu.memory_space<vmem>>
    %dma_start3A_25 = tpu.memref_squeeze %dma_start3A_24 : memref<1x80x80xf32, #tpu.memory_space<vmem>> -> memref<80x80xf32, #tpu.memory_space<vmem>>
    %dma_start3A_26 = arith.constant 80 : i32
    %dma_start3A_27 = tpu.memref_slice %arg6[%dma_start3A_26] : memref<20000xi32, #tpu.memory_space<vmem>> -> memref<80xi32, #tpu.memory_space<vmem>>
    %dma_start3A_28 = arith.constant 0 : i32
    %dma_start3A_29 = arith.constant 0 : i32
    %dma_start3A_30 = tpu.memref_slice %arg2[%dma_start3A_28, %dma_start3A_29] : memref<20000x80xf32, #tpu.memory_space<hbm>> -> memref<20000x80xf32, #tpu.memory_space<hbm>>
    tpu.enqueue_indirect_dma source(%dma_start3A_30 : memref<20000x80xf32, #tpu.memory_space<hbm>>) target(%dma_start3A_25 : memref<80x80xf32, #tpu.memory_space<vmem>>) offsets(%dma_start3A_27 : memref<80xi32, #tpu.memory_space<vmem>>) semaphore(%arg11 : memref<!tpu.dma_semaphore, #tpu.memory_space<semaphore_mem>>)
    %scan3A_31 = arith.constant 0 : i32
    %scan3A_32 = arith.constant 62 : i32
    %scan3A_33 = arith.addi %scan3A_31, %scan3A_32 : i32
    %scan3A_34 = arith.constant 1 : i32
    scf.for %scan3A_113 = %scan3A_31 to %scan3A_33 step %scan3A_34  : i32 {
      %mul3A_114 = arith.constant 2 : i32
      %mul3A_115 = arith.muli %scan3A_113, %mul3A_114 : i32
      %add3A = arith.constant 0 : i32
      %add3A_116 = arith.addi %add3A, %mul3A_115 : i32
      %add3A_117 = arith.constant 1 : i32
      %add3A_118 = arith.addi %add3A_116, %add3A_117 : i32
      %mul3A_119 = arith.constant 2 : i32
      %mul3A_120 = arith.muli %add3A_118, %mul3A_119 : i32
      %add3A_121 = arith.constant 0 : i32
      %add3A_122 = arith.addi %mul3A_120, %add3A_121 : i32
      %mul3A_123 = arith.constant 80 : i32
      %mul3A_124 = arith.muli %add3A_122, %mul3A_123 : i32
      %dma_start3A_125 = arith.constant 2 : i32
      %dma_start3A_126 = arith.constant 0 : i32
      %dma_start3A_127 = arith.constant 0 : i32
      %dma_start3A_128 = tpu.memref_slice %arg8[%dma_start3A_125, %dma_start3A_126, %dma_start3A_127] : memref<4x80x80xf32, #tpu.memory_space<vmem>> -> memref<1x80x80xf32, #tpu.memory_space<vmem>>
      %dma_start3A_129 = tpu.memref_squeeze %dma_start3A_128 : memref<1x80x80xf32, #tpu.memory_space<vmem>> -> memref<80x80xf32, #tpu.memory_space<vmem>>
      %dma_start3A_130 = tpu.memref_slice %arg6[%mul3A_124] : memref<20000xi32, #tpu.memory_space<vmem>> -> memref<80xi32, #tpu.memory_space<vmem>>
      %dma_start3A_131 = arith.constant 0 : i32
      %dma_start3A_132 = arith.constant 0 : i32
      %dma_start3A_133 = tpu.memref_slice %arg2[%dma_start3A_131, %dma_start3A_132] : memref<20000x80xf32, #tpu.memory_space<hbm>> -> memref<20000x80xf32, #tpu.memory_space<hbm>>
      tpu.enqueue_indirect_dma source(%dma_start3A_133 : memref<20000x80xf32, #tpu.memory_space<hbm>>) target(%dma_start3A_129 : memref<80x80xf32, #tpu.memory_space<vmem>>) offsets(%dma_start3A_130 : memref<80xi32, #tpu.memory_space<vmem>>) semaphore(%arg12 : memref<!tpu.dma_semaphore, #tpu.memory_space<semaphore_mem>>)
      %mul3A_134 = arith.constant 2 : i32
      %mul3A_135 = arith.muli %add3A_118, %mul3A_134 : i32
      %add3A_136 = arith.constant 1 : i32
      %add3A_137 = arith.addi %mul3A_135, %add3A_136 : i32
      %mul3A_138 = arith.constant 80 : i32
      %mul3A_139 = arith.muli %add3A_137, %mul3A_138 : i32
      %dma_start3A_140 = arith.constant 3 : i32
      %dma_start3A_141 = arith.constant 0 : i32
      %dma_start3A_142 = arith.constant 0 : i32
      %dma_start3A_143 = tpu.memref_slice %arg8[%dma_start3A_140, %dma_start3A_141, %dma_start3A_142] : memref<4x80x80xf32, #tpu.memory_space<vmem>> -> memref<1x80x80xf32, #tpu.memory_space<vmem>>
      %dma_start3A_144 = tpu.memref_squeeze %dma_start3A_143 : memref<1x80x80xf32, #tpu.memory_space<vmem>> -> memref<80x80xf32, #tpu.memory_space<vmem>>
      %dma_start3A_145 = tpu.memref_slice %arg6[%mul3A_139] : memref<20000xi32, #tpu.memory_space<vmem>> -> memref<80xi32, #tpu.memory_space<vmem>>
      %dma_start3A_146 = arith.constant 0 : i32
      %dma_start3A_147 = arith.constant 0 : i32
      %dma_start3A_148 = tpu.memref_slice %arg2[%dma_start3A_146, %dma_start3A_147] : memref<20000x80xf32, #tpu.memory_space<hbm>> -> memref<20000x80xf32, #tpu.memory_space<hbm>>
      tpu.enqueue_indirect_dma source(%dma_start3A_148 : memref<20000x80xf32, #tpu.memory_space<hbm>>) target(%dma_start3A_144 : memref<80x80xf32, #tpu.memory_space<vmem>>) offsets(%dma_start3A_145 : memref<80xi32, #tpu.memory_space<vmem>>) semaphore(%arg12 : memref<!tpu.dma_semaphore, #tpu.memory_space<semaphore_mem>>)
      %mul3A_149 = arith.constant 2 : i32
      %mul3A_150 = arith.muli %add3A_116, %mul3A_149 : i32
      %add3A_151 = arith.constant 0 : i32
      %add3A_152 = arith.addi %mul3A_150, %add3A_151 : i32
      %mul3A_153 = arith.constant 80 : i32
      %mul3A_154 = arith.muli %add3A_152, %mul3A_153 : i32
      %dma_wait3A_155 = arith.constant 0 : i32
      %dma_wait3A_156 = arith.constant 0 : i32
      %dma_wait3A_157 = arith.constant 0 : i32
      %dma_wait3A_158 = tpu.memref_slice %arg8[%dma_wait3A_155, %dma_wait3A_156, %dma_wait3A_157] : memref<4x80x80xf32, #tpu.memory_space<vmem>> -> memref<1x80x80xf32, #tpu.memory_space<vmem>>
      %dma_wait3A_159 = tpu.memref_squeeze %dma_wait3A_158 : memref<1x80x80xf32, #tpu.memory_space<vmem>> -> memref<80x80xf32, #tpu.memory_space<vmem>>
      %dma_wait3A_160 = tpu.memref_slice %arg6[%mul3A_154] : memref<20000xi32, #tpu.memory_space<vmem>> -> memref<80xi32, #tpu.memory_space<vmem>>
      %dma_wait3A_161 = arith.constant 0 : i32
      %dma_wait3A_162 = arith.constant 0 : i32
      %dma_wait3A_163 = tpu.memref_slice %arg2[%dma_wait3A_161, %dma_wait3A_162] : memref<20000x80xf32, #tpu.memory_space<hbm>> -> memref<20000x80xf32, #tpu.memory_space<hbm>>
      tpu.wait_indirect_dma semaphore(%arg11 : memref<!tpu.dma_semaphore, #tpu.memory_space<semaphore_mem>>) src(%dma_wait3A_163 : memref<20000x80xf32, #tpu.memory_space<hbm>>) dst(%dma_wait3A_159 : memref<80x80xf32, #tpu.memory_space<vmem>>)
      %mul3A_164 = arith.constant 2 : i32
      %mul3A_165 = arith.muli %add3A_116, %mul3A_164 : i32
      %add3A_166 = arith.constant 1 : i32
      %add3A_167 = arith.addi %mul3A_165, %add3A_166 : i32
      %mul3A_168 = arith.constant 80 : i32
      %mul3A_169 = arith.muli %add3A_167, %mul3A_168 : i32
      %dma_wait3A_170 = arith.constant 1 : i32
      %dma_wait3A_171 = arith.constant 0 : i32
      %dma_wait3A_172 = arith.constant 0 : i32
      %dma_wait3A_173 = tpu.memref_slice %arg8[%dma_wait3A_170, %dma_wait3A_171, %dma_wait3A_172] : memref<4x80x80xf32, #tpu.memory_space<vmem>> -> memref<1x80x80xf32, #tpu.memory_space<vmem>>
      %dma_wait3A_174 = tpu.memref_squeeze %dma_wait3A_173 : memref<1x80x80xf32, #tpu.memory_space<vmem>> -> memref<80x80xf32, #tpu.memory_space<vmem>>
      %dma_wait3A_175 = tpu.memref_slice %arg6[%mul3A_169] : memref<20000xi32, #tpu.memory_space<vmem>> -> memref<80xi32, #tpu.memory_space<vmem>>
      %dma_wait3A_176 = arith.constant 0 : i32
      %dma_wait3A_177 = arith.constant 0 : i32
      %dma_wait3A_178 = tpu.memref_slice %arg2[%dma_wait3A_176, %dma_wait3A_177] : memref<20000x80xf32, #tpu.memory_space<hbm>> -> memref<20000x80xf32, #tpu.memory_space<hbm>>
      tpu.wait_indirect_dma semaphore(%arg11 : memref<!tpu.dma_semaphore, #tpu.memory_space<semaphore_mem>>) src(%dma_wait3A_178 : memref<20000x80xf32, #tpu.memory_space<hbm>>) dst(%dma_wait3A_174 : memref<80x80xf32, #tpu.memory_space<vmem>>)
      %mul3A_179 = arith.constant 2 : i32
      %mul3A_180 = arith.muli %add3A_116, %mul3A_179 : i32
      %add3A_181 = arith.constant 0 : i32
      %add3A_182 = arith.addi %mul3A_180, %add3A_181 : i32
      %dma_start3A_183 = arith.constant 0 : i32
      %dma_start3A_184 = arith.constant 0 : i32
      %dma_start3A_185 = arith.constant 0 : i32
      %dma_start3A_186 = tpu.memref_slice %arg8[%dma_start3A_183, %dma_start3A_184, %dma_start3A_185] : memref<4x80x80xf32, #tpu.memory_space<vmem>> -> memref<1x80x80xf32, #tpu.memory_space<vmem>>
      %dma_start3A_187 = tpu.memref_squeeze %dma_start3A_186 : memref<1x80x80xf32, #tpu.memory_space<vmem>> -> memref<80x80xf32, #tpu.memory_space<vmem>>
      %dma_start3A_188 = arith.constant 0 : i32
      %dma_start3A_189 = tpu.memref_slice %arg7[%add3A_182, %dma_start3A_188] : memref<250x80xi32, #tpu.memory_space<vmem>> -> memref<1x80xi32, #tpu.memory_space<vmem>>
      %dma_start3A_190 = tpu.memref_squeeze %dma_start3A_189 : memref<1x80xi32, #tpu.memory_space<vmem>> -> memref<80xi32, #tpu.memory_space<vmem>>
      %dma_start3A_191 = arith.constant 0 : i32
      %dma_start3A_192 = arith.constant 0 : i32
      %dma_start3A_193 = tpu.memref_slice %arg10[%dma_start3A_191, %dma_start3A_192] : memref<10240x80xf32, #tpu.memory_space<vmem_shared>> -> memref<10240x80xf32, #tpu.memory_space<vmem_shared>>
      tpu.enqueue_indirect_dma source(%dma_start3A_187 : memref<80x80xf32, #tpu.memory_space<vmem>>) target(%dma_start3A_193 : memref<10240x80xf32, #tpu.memory_space<vmem_shared>>) offsets(%dma_start3A_190 : memref<80xi32, #tpu.memory_space<vmem>>) semaphore(%arg13 : memref<!tpu.dma_semaphore, #tpu.memory_space<semaphore_mem>>) {add = true}
      %mul3A_194 = arith.constant 2 : i32
      %mul3A_195 = arith.muli %add3A_116, %mul3A_194 : i32
      %add3A_196 = arith.constant 1 : i32
      %add3A_197 = arith.addi %mul3A_195, %add3A_196 : i32
      %dma_start3A_198 = arith.constant 1 : i32
      %dma_start3A_199 = arith.constant 0 : i32
      %dma_start3A_200 = arith.constant 0 : i32
      %dma_start3A_201 = tpu.memref_slice %arg8[%dma_start3A_198, %dma_start3A_199, %dma_start3A_200] : memref<4x80x80xf32, #tpu.memory_space<vmem>> -> memref<1x80x80xf32, #tpu.memory_space<vmem>>
      %dma_start3A_202 = tpu.memref_squeeze %dma_start3A_201 : memref<1x80x80xf32, #tpu.memory_space<vmem>> -> memref<80x80xf32, #tpu.memory_space<vmem>>
      %dma_start3A_203 = arith.constant 0 : i32
      %dma_start3A_204 = tpu.memref_slice %arg7[%add3A_197, %dma_start3A_203] : memref<250x80xi32, #tpu.memory_space<vmem>> -> memref<1x80xi32, #tpu.memory_space<vmem>>
      %dma_start3A_205 = tpu.memref_squeeze %dma_start3A_204 : memref<1x80xi32, #tpu.memory_space<vmem>> -> memref<80xi32, #tpu.memory_space<vmem>>
      %dma_start3A_206 = arith.constant 0 : i32
      %dma_start3A_207 = arith.constant 0 : i32
      %dma_start3A_208 = tpu.memref_slice %arg10[%dma_start3A_206, %dma_start3A_207] : memref<10240x80xf32, #tpu.memory_space<vmem_shared>> -> memref<10240x80xf32, #tpu.memory_space<vmem_shared>>
      tpu.enqueue_indirect_dma source(%dma_start3A_202 : memref<80x80xf32, #tpu.memory_space<vmem>>) target(%dma_start3A_208 : memref<10240x80xf32, #tpu.memory_space<vmem_shared>>) offsets(%dma_start3A_205 : memref<80xi32, #tpu.memory_space<vmem>>) semaphore(%arg13 : memref<!tpu.dma_semaphore, #tpu.memory_space<semaphore_mem>>) {add = true}
      %mul3A_209 = arith.constant 2 : i32
      %mul3A_210 = arith.muli %add3A_116, %mul3A_209 : i32
      %add3A_211 = arith.constant 0 : i32
      %add3A_212 = arith.addi %mul3A_210, %add3A_211 : i32
      %dma_wait3A_213 = arith.constant 0 : i32
      %dma_wait3A_214 = arith.constant 0 : i32
      %dma_wait3A_215 = arith.constant 0 : i32
      %dma_wait3A_216 = tpu.memref_slice %arg8[%dma_wait3A_213, %dma_wait3A_214, %dma_wait3A_215] : memref<4x80x80xf32, #tpu.memory_space<vmem>> -> memref<1x80x80xf32, #tpu.memory_space<vmem>>
      %dma_wait3A_217 = tpu.memref_squeeze %dma_wait3A_216 : memref<1x80x80xf32, #tpu.memory_space<vmem>> -> memref<80x80xf32, #tpu.memory_space<vmem>>
      %dma_wait3A_218 = arith.constant 0 : i32
      %dma_wait3A_219 = tpu.memref_slice %arg7[%add3A_212, %dma_wait3A_218] : memref<250x80xi32, #tpu.memory_space<vmem>> -> memref<1x80xi32, #tpu.memory_space<vmem>>
      %dma_wait3A_220 = tpu.memref_squeeze %dma_wait3A_219 : memref<1x80xi32, #tpu.memory_space<vmem>> -> memref<80xi32, #tpu.memory_space<vmem>>
      %dma_wait3A_221 = arith.constant 0 : i32
      %dma_wait3A_222 = arith.constant 0 : i32
      %dma_wait3A_223 = tpu.memref_slice %arg10[%dma_wait3A_221, %dma_wait3A_222] : memref<10240x80xf32, #tpu.memory_space<vmem_shared>> -> memref<10240x80xf32, #tpu.memory_space<vmem_shared>>
      tpu.wait_indirect_dma semaphore(%arg13 : memref<!tpu.dma_semaphore, #tpu.memory_space<semaphore_mem>>) src(%dma_wait3A_217 : memref<80x80xf32, #tpu.memory_space<vmem>>) dst(%dma_wait3A_223 : memref<10240x80xf32, #tpu.memory_space<vmem_shared>>)
      %mul3A_224 = arith.constant 2 : i32
      %mul3A_225 = arith.muli %add3A_116, %mul3A_224 : i32
      %add3A_226 = arith.constant 1 : i32
      %add3A_227 = arith.addi %mul3A_225, %add3A_226 : i32
      %dma_wait3A_228 = arith.constant 1 : i32
      %dma_wait3A_229 = arith.constant 0 : i32
      %dma_wait3A_230 = arith.constant 0 : i32
      %dma_wait3A_231 = tpu.memref_slice %arg8[%dma_wait3A_228, %dma_wait3A_229, %dma_wait3A_230] : memref<4x80x80xf32, #tpu.memory_space<vmem>> -> memref<1x80x80xf32, #tpu.memory_space<vmem>>
      %dma_wait3A_232 = tpu.memref_squeeze %dma_wait3A_231 : memref<1x80x80xf32, #tpu.memory_space<vmem>> -> memref<80x80xf32, #tpu.memory_space<vmem>>
      %dma_wait3A_233 = arith.constant 0 : i32
      %dma_wait3A_234 = tpu.memref_slice %arg7[%add3A_227, %dma_wait3A_233] : memref<250x80xi32, #tpu.memory_space<vmem>> -> memref<1x80xi32, #tpu.memory_space<vmem>>
      %dma_wait3A_235 = tpu.memref_squeeze %dma_wait3A_234 : memref<1x80xi32, #tpu.memory_space<vmem>> -> memref<80xi32, #tpu.memory_space<vmem>>
      %dma_wait3A_236 = arith.constant 0 : i32
      %dma_wait3A_237 = arith.constant 0 : i32
      %dma_wait3A_238 = tpu.memref_slice %arg10[%dma_wait3A_236, %dma_wait3A_237] : memref<10240x80xf32, #tpu.memory_space<vmem_shared>> -> memref<10240x80xf32, #tpu.memory_space<vmem_shared>>
      tpu.wait_indirect_dma semaphore(%arg13 : memref<!tpu.dma_semaphore, #tpu.memory_space<semaphore_mem>>) src(%dma_wait3A_232 : memref<80x80xf32, #tpu.memory_space<vmem>>) dst(%dma_wait3A_238 : memref<10240x80xf32, #tpu.memory_space<vmem_shared>>)
      %add3A_239 = arith.constant 2 : i32
      %add3A_240 = arith.addi %add3A_116, %add3A_239 : i32
      %mul3A_241 = arith.constant 2 : i32
      %mul3A_242 = arith.muli %add3A_240, %mul3A_241 : i32
      %add3A_243 = arith.constant 0 : i32
      %add3A_244 = arith.addi %mul3A_242, %add3A_243 : i32
      %mul3A_245 = arith.constant 80 : i32
      %mul3A_246 = arith.muli %add3A_244, %mul3A_245 : i32
      %dma_start3A_247 = arith.constant 0 : i32
      %dma_start3A_248 = arith.constant 0 : i32
      %dma_start3A_249 = arith.constant 0 : i32
      %dma_start3A_250 = tpu.memref_slice %arg8[%dma_start3A_247, %dma_start3A_248, %dma_start3A_249] : memref<4x80x80xf32, #tpu.memory_space<vmem>> -> memref<1x80x80xf32, #tpu.memory_space<vmem>>
      %dma_start3A_251 = tpu.memref_squeeze %dma_start3A_250 : memref<1x80x80xf32, #tpu.memory_space<vmem>> -> memref<80x80xf32, #tpu.memory_space<vmem>>
      %dma_start3A_252 = tpu.memref_slice %arg6[%mul3A_246] : memref<20000xi32, #tpu.memory_space<vmem>> -> memref<80xi32, #tpu.memory_space<vmem>>
      %dma_start3A_253 = arith.constant 0 : i32
      %dma_start3A_254 = arith.constant 0 : i32
      %dma_start3A_255 = tpu.memref_slice %arg2[%dma_start3A_253, %dma_start3A_254] : memref<20000x80xf32, #tpu.memory_space<hbm>> -> memref<20000x80xf32, #tpu.memory_space<hbm>>
      tpu.enqueue_indirect_dma source(%dma_start3A_255 : memref<20000x80xf32, #tpu.memory_space<hbm>>) target(%dma_start3A_251 : memref<80x80xf32, #tpu.memory_space<vmem>>) offsets(%dma_start3A_252 : memref<80xi32, #tpu.memory_space<vmem>>) semaphore(%arg11 : memref<!tpu.dma_semaphore, #tpu.memory_space<semaphore_mem>>)
      %mul3A_256 = arith.constant 2 : i32
      %mul3A_257 = arith.muli %add3A_240, %mul3A_256 : i32
      %add3A_258 = arith.constant 1 : i32
      %add3A_259 = arith.addi %mul3A_257, %add3A_258 : i32
      %mul3A_260 = arith.constant 80 : i32
      %mul3A_261 = arith.muli %add3A_259, %mul3A_260 : i32
      %dma_start3A_262 = arith.constant 1 : i32
      %dma_start3A_263 = arith.constant 0 : i32
      %dma_start3A_264 = arith.constant 0 : i32
      %dma_start3A_265 = tpu.memref_slice %arg8[%dma_start3A_262, %dma_start3A_263, %dma_start3A_264] : memref<4x80x80xf32, #tpu.memory_space<vmem>> -> memref<1x80x80xf32, #tpu.memory_space<vmem>>
      %dma_start3A_266 = tpu.memref_squeeze %dma_start3A_265 : memref<1x80x80xf32, #tpu.memory_space<vmem>> -> memref<80x80xf32, #tpu.memory_space<vmem>>
      %dma_start3A_267 = tpu.memref_slice %arg6[%mul3A_261] : memref<20000xi32, #tpu.memory_space<vmem>> -> memref<80xi32, #tpu.memory_space<vmem>>
      %dma_start3A_268 = arith.constant 0 : i32
      %dma_start3A_269 = arith.constant 0 : i32
      %dma_start3A_270 = tpu.memref_slice %arg2[%dma_start3A_268, %dma_start3A_269] : memref<20000x80xf32, #tpu.memory_space<hbm>> -> memref<20000x80xf32, #tpu.memory_space<hbm>>
      tpu.enqueue_indirect_dma source(%dma_start3A_270 : memref<20000x80xf32, #tpu.memory_space<hbm>>) target(%dma_start3A_266 : memref<80x80xf32, #tpu.memory_space<vmem>>) offsets(%dma_start3A_267 : memref<80xi32, #tpu.memory_space<vmem>>) semaphore(%arg11 : memref<!tpu.dma_semaphore, #tpu.memory_space<semaphore_mem>>)
      %add3A_271 = arith.constant 1 : i32
      %add3A_272 = arith.addi %add3A_116, %add3A_271 : i32
      %mul3A_273 = arith.constant 2 : i32
      %mul3A_274 = arith.muli %add3A_272, %mul3A_273 : i32
      %add3A_275 = arith.constant 0 : i32
      %add3A_276 = arith.addi %mul3A_274, %add3A_275 : i32
      %mul3A_277 = arith.constant 80 : i32
      %mul3A_278 = arith.muli %add3A_276, %mul3A_277 : i32
      %dma_wait3A_279 = arith.constant 2 : i32
      %dma_wait3A_280 = arith.constant 0 : i32
      %dma_wait3A_281 = arith.constant 0 : i32
      %dma_wait3A_282 = tpu.memref_slice %arg8[%dma_wait3A_279, %dma_wait3A_280, %dma_wait3A_281] : memref<4x80x80xf32, #tpu.memory_space<vmem>> -> memref<1x80x80xf32, #tpu.memory_space<vmem>>
      %dma_wait3A_283 = tpu.memref_squeeze %dma_wait3A_282 : memref<1x80x80xf32, #tpu.memory_space<vmem>> -> memref<80x80xf32, #tpu.memory_space<vmem>>
      %dma_wait3A_284 = tpu.memref_slice %arg6[%mul3A_278] : memref<20000xi32, #tpu.memory_space<vmem>> -> memref<80xi32, #tpu.memory_space<vmem>>
      %dma_wait3A_285 = arith.constant 0 : i32
      %dma_wait3A_286 = arith.constant 0 : i32
      %dma_wait3A_287 = tpu.memref_slice %arg2[%dma_wait3A_285, %dma_wait3A_286] : memref<20000x80xf32, #tpu.memory_space<hbm>> -> memref<20000x80xf32, #tpu.memory_space<hbm>>
      tpu.wait_indirect_dma semaphore(%arg12 : memref<!tpu.dma_semaphore, #tpu.memory_space<semaphore_mem>>) src(%dma_wait3A_287 : memref<20000x80xf32, #tpu.memory_space<hbm>>) dst(%dma_wait3A_283 : memref<80x80xf32, #tpu.memory_space<vmem>>)
      %mul3A_288 = arith.constant 2 : i32
      %mul3A_289 = arith.muli %add3A_272, %mul3A_288 : i32
      %add3A_290 = arith.constant 1 : i32
      %add3A_291 = arith.addi %mul3A_289, %add3A_290 : i32
      %mul3A_292 = arith.constant 80 : i32
      %mul3A_293 = arith.muli %add3A_291, %mul3A_292 : i32
      %dma_wait3A_294 = arith.constant 3 : i32
      %dma_wait3A_295 = arith.constant 0 : i32
      %dma_wait3A_296 = arith.constant 0 : i32
      %dma_wait3A_297 = tpu.memref_slice %arg8[%dma_wait3A_294, %dma_wait3A_295, %dma_wait3A_296] : memref<4x80x80xf32, #tpu.memory_space<vmem>> -> memref<1x80x80xf32, #tpu.memory_space<vmem>>
      %dma_wait3A_298 = tpu.memref_squeeze %dma_wait3A_297 : memref<1x80x80xf32, #tpu.memory_space<vmem>> -> memref<80x80xf32, #tpu.memory_space<vmem>>
      %dma_wait3A_299 = tpu.memref_slice %arg6[%mul3A_293] : memref<20000xi32, #tpu.memory_space<vmem>> -> memref<80xi32, #tpu.memory_space<vmem>>
      %dma_wait3A_300 = arith.constant 0 : i32
      %dma_wait3A_301 = arith.constant 0 : i32
      %dma_wait3A_302 = tpu.memref_slice %arg2[%dma_wait3A_300, %dma_wait3A_301] : memref<20000x80xf32, #tpu.memory_space<hbm>> -> memref<20000x80xf32, #tpu.memory_space<hbm>>
      tpu.wait_indirect_dma semaphore(%arg12 : memref<!tpu.dma_semaphore, #tpu.memory_space<semaphore_mem>>) src(%dma_wait3A_302 : memref<20000x80xf32, #tpu.memory_space<hbm>>) dst(%dma_wait3A_298 : memref<80x80xf32, #tpu.memory_space<vmem>>)
      %mul3A_303 = arith.constant 2 : i32
      %mul3A_304 = arith.muli %add3A_272, %mul3A_303 : i32
      %add3A_305 = arith.constant 0 : i32
      %add3A_306 = arith.addi %mul3A_304, %add3A_305 : i32
      %dma_start3A_307 = arith.constant 2 : i32
      %dma_start3A_308 = arith.constant 0 : i32
      %dma_start3A_309 = arith.constant 0 : i32
      %dma_start3A_310 = tpu.memref_slice %arg8[%dma_start3A_307, %dma_start3A_308, %dma_start3A_309] : memref<4x80x80xf32, #tpu.memory_space<vmem>> -> memref<1x80x80xf32, #tpu.memory_space<vmem>>
      %dma_start3A_311 = tpu.memref_squeeze %dma_start3A_310 : memref<1x80x80xf32, #tpu.memory_space<vmem>> -> memref<80x80xf32, #tpu.memory_space<vmem>>
      %dma_start3A_312 = arith.constant 0 : i32
      %dma_start3A_313 = tpu.memref_slice %arg7[%add3A_306, %dma_start3A_312] : memref<250x80xi32, #tpu.memory_space<vmem>> -> memref<1x80xi32, #tpu.memory_space<vmem>>
      %dma_start3A_314 = tpu.memref_squeeze %dma_start3A_313 : memref<1x80xi32, #tpu.memory_space<vmem>> -> memref<80xi32, #tpu.memory_space<vmem>>
      %dma_start3A_315 = arith.constant 0 : i32
      %dma_start3A_316 = arith.constant 0 : i32
      %dma_start3A_317 = tpu.memref_slice %arg10[%dma_start3A_315, %dma_start3A_316] : memref<10240x80xf32, #tpu.memory_space<vmem_shared>> -> memref<10240x80xf32, #tpu.memory_space<vmem_shared>>
      tpu.enqueue_indirect_dma source(%dma_start3A_311 : memref<80x80xf32, #tpu.memory_space<vmem>>) target(%dma_start3A_317 : memref<10240x80xf32, #tpu.memory_space<vmem_shared>>) offsets(%dma_start3A_314 : memref<80xi32, #tpu.memory_space<vmem>>) semaphore(%arg14 : memref<!tpu.dma_semaphore, #tpu.memory_space<semaphore_mem>>) {add = true}
      %mul3A_318 = arith.constant 2 : i32
      %mul3A_319 = arith.muli %add3A_272, %mul3A_318 : i32
      %add3A_320 = arith.constant 1 : i32
      %add3A_321 = arith.addi %mul3A_319, %add3A_320 : i32
      %dma_start3A_322 = arith.constant 3 : i32
      %dma_start3A_323 = arith.constant 0 : i32
      %dma_start3A_324 = arith.constant 0 : i32
      %dma_start3A_325 = tpu.memref_slice %arg8[%dma_start3A_322, %dma_start3A_323, %dma_start3A_324] : memref<4x80x80xf32, #tpu.memory_space<vmem>> -> memref<1x80x80xf32, #tpu.memory_space<vmem>>
      %dma_start3A_326 = tpu.memref_squeeze %dma_start3A_325 : memref<1x80x80xf32, #tpu.memory_space<vmem>> -> memref<80x80xf32, #tpu.memory_space<vmem>>
      %dma_start3A_327 = arith.constant 0 : i32
      %dma_start3A_328 = tpu.memref_slice %arg7[%add3A_321, %dma_start3A_327] : memref<250x80xi32, #tpu.memory_space<vmem>> -> memref<1x80xi32, #tpu.memory_space<vmem>>
      %dma_start3A_329 = tpu.memref_squeeze %dma_start3A_328 : memref<1x80xi32, #tpu.memory_space<vmem>> -> memref<80xi32, #tpu.memory_space<vmem>>
      %dma_start3A_330 = arith.constant 0 : i32
      %dma_start3A_331 = arith.constant 0 : i32
      %dma_start3A_332 = tpu.memref_slice %arg10[%dma_start3A_330, %dma_start3A_331] : memref<10240x80xf32, #tpu.memory_space<vmem_shared>> -> memref<10240x80xf32, #tpu.memory_space<vmem_shared>>
      tpu.enqueue_indirect_dma source(%dma_start3A_326 : memref<80x80xf32, #tpu.memory_space<vmem>>) target(%dma_start3A_332 : memref<10240x80xf32, #tpu.memory_space<vmem_shared>>) offsets(%dma_start3A_329 : memref<80xi32, #tpu.memory_space<vmem>>) semaphore(%arg14 : memref<!tpu.dma_semaphore, #tpu.memory_space<semaphore_mem>>) {add = true}
      %mul3A_333 = arith.constant 2 : i32
      %mul3A_334 = arith.muli %add3A_272, %mul3A_333 : i32
      %add3A_335 = arith.constant 0 : i32
      %add3A_336 = arith.addi %mul3A_334, %add3A_335 : i32
      %dma_wait3A_337 = arith.constant 2 : i32
      %dma_wait3A_338 = arith.constant 0 : i32
      %dma_wait3A_339 = arith.constant 0 : i32
      %dma_wait3A_340 = tpu.memref_slice %arg8[%dma_wait3A_337, %dma_wait3A_338, %dma_wait3A_339] : memref<4x80x80xf32, #tpu.memory_space<vmem>> -> memref<1x80x80xf32, #tpu.memory_space<vmem>>
      %dma_wait3A_341 = tpu.memref_squeeze %dma_wait3A_340 : memref<1x80x80xf32, #tpu.memory_space<vmem>> -> memref<80x80xf32, #tpu.memory_space<vmem>>
      %dma_wait3A_342 = arith.constant 0 : i32
      %dma_wait3A_343 = tpu.memref_slice %arg7[%add3A_336, %dma_wait3A_342] : memref<250x80xi32, #tpu.memory_space<vmem>> -> memref<1x80xi32, #tpu.memory_space<vmem>>
      %dma_wait3A_344 = tpu.memref_squeeze %dma_wait3A_343 : memref<1x80xi32, #tpu.memory_space<vmem>> -> memref<80xi32, #tpu.memory_space<vmem>>
      %dma_wait3A_345 = arith.constant 0 : i32
      %dma_wait3A_346 = arith.constant 0 : i32
      %dma_wait3A_347 = tpu.memref_slice %arg10[%dma_wait3A_345, %dma_wait3A_346] : memref<10240x80xf32, #tpu.memory_space<vmem_shared>> -> memref<10240x80xf32, #tpu.memory_space<vmem_shared>>
      tpu.wait_indirect_dma semaphore(%arg14 : memref<!tpu.dma_semaphore, #tpu.memory_space<semaphore_mem>>) src(%dma_wait3A_341 : memref<80x80xf32, #tpu.memory_space<vmem>>) dst(%dma_wait3A_347 : memref<10240x80xf32, #tpu.memory_space<vmem_shared>>)
      %mul3A_348 = arith.constant 2 : i32
      %mul3A_349 = arith.muli %add3A_272, %mul3A_348 : i32
      %add3A_350 = arith.constant 1 : i32
      %add3A_351 = arith.addi %mul3A_349, %add3A_350 : i32
      %dma_wait3A_352 = arith.constant 3 : i32
      %dma_wait3A_353 = arith.constant 0 : i32
      %dma_wait3A_354 = arith.constant 0 : i32
      %dma_wait3A_355 = tpu.memref_slice %arg8[%dma_wait3A_352, %dma_wait3A_353, %dma_wait3A_354] : memref<4x80x80xf32, #tpu.memory_space<vmem>> -> memref<1x80x80xf32, #tpu.memory_space<vmem>>
      %dma_wait3A_356 = tpu.memref_squeeze %dma_wait3A_355 : memref<1x80x80xf32, #tpu.memory_space<vmem>> -> memref<80x80xf32, #tpu.memory_space<vmem>>
      %dma_wait3A_357 = arith.constant 0 : i32
      %dma_wait3A_358 = tpu.memref_slice %arg7[%add3A_351, %dma_wait3A_357] : memref<250x80xi32, #tpu.memory_space<vmem>> -> memref<1x80xi32, #tpu.memory_space<vmem>>
      %dma_wait3A_359 = tpu.memref_squeeze %dma_wait3A_358 : memref<1x80xi32, #tpu.memory_space<vmem>> -> memref<80xi32, #tpu.memory_space<vmem>>
      %dma_wait3A_360 = arith.constant 0 : i32
      %dma_wait3A_361 = arith.constant 0 : i32
      %dma_wait3A_362 = tpu.memref_slice %arg10[%dma_wait3A_360, %dma_wait3A_361] : memref<10240x80xf32, #tpu.memory_space<vmem_shared>> -> memref<10240x80xf32, #tpu.memory_space<vmem_shared>>
      tpu.wait_indirect_dma semaphore(%arg14 : memref<!tpu.dma_semaphore, #tpu.memory_space<semaphore_mem>>) src(%dma_wait3A_356 : memref<80x80xf32, #tpu.memory_space<vmem>>) dst(%dma_wait3A_362 : memref<10240x80xf32, #tpu.memory_space<vmem_shared>>)
    }
    %scan3A_35 = arith.constant 62 : i32
    %dma_wait3A = arith.constant 0 : i32
    %dma_wait3A_36 = arith.constant 0 : i32
    %dma_wait3A_37 = arith.constant 0 : i32
    %dma_wait3A_38 = tpu.memref_slice %arg8[%dma_wait3A, %dma_wait3A_36, %dma_wait3A_37] : memref<4x80x80xf32, #tpu.memory_space<vmem>> -> memref<1x80x80xf32, #tpu.memory_space<vmem>>
    %dma_wait3A_39 = tpu.memref_squeeze %dma_wait3A_38 : memref<1x80x80xf32, #tpu.memory_space<vmem>> -> memref<80x80xf32, #tpu.memory_space<vmem>>
    %dma_wait3A_40 = arith.constant 19840 : i32
    %dma_wait3A_41 = tpu.memref_slice %arg6[%dma_wait3A_40] : memref<20000xi32, #tpu.memory_space<vmem>> -> memref<80xi32, #tpu.memory_space<vmem>>
    %dma_wait3A_42 = arith.constant 0 : i32
    %dma_wait3A_43 = arith.constant 0 : i32
    %dma_wait3A_44 = tpu.memref_slice %arg2[%dma_wait3A_42, %dma_wait3A_43] : memref<20000x80xf32, #tpu.memory_space<hbm>> -> memref<20000x80xf32, #tpu.memory_space<hbm>>
    tpu.wait_indirect_dma semaphore(%arg11 : memref<!tpu.dma_semaphore, #tpu.memory_space<semaphore_mem>>) src(%dma_wait3A_44 : memref<20000x80xf32, #tpu.memory_space<hbm>>) dst(%dma_wait3A_39 : memref<80x80xf32, #tpu.memory_space<vmem>>)
    %dma_wait3A_45 = arith.constant 1 : i32
    %dma_wait3A_46 = arith.constant 0 : i32
    %dma_wait3A_47 = arith.constant 0 : i32
    %dma_wait3A_48 = tpu.memref_slice %arg8[%dma_wait3A_45, %dma_wait3A_46, %dma_wait3A_47] : memref<4x80x80xf32, #tpu.memory_space<vmem>> -> memref<1x80x80xf32, #tpu.memory_space<vmem>>
    %dma_wait3A_49 = tpu.memref_squeeze %dma_wait3A_48 : memref<1x80x80xf32, #tpu.memory_space<vmem>> -> memref<80x80xf32, #tpu.memory_space<vmem>>
    %dma_wait3A_50 = arith.constant 19920 : i32
    %dma_wait3A_51 = tpu.memref_slice %arg6[%dma_wait3A_50] : memref<20000xi32, #tpu.memory_space<vmem>> -> memref<80xi32, #tpu.memory_space<vmem>>
    %dma_wait3A_52 = arith.constant 0 : i32
    %dma_wait3A_53 = arith.constant 0 : i32
    %dma_wait3A_54 = tpu.memref_slice %arg2[%dma_wait3A_52, %dma_wait3A_53] : memref<20000x80xf32, #tpu.memory_space<hbm>> -> memref<20000x80xf32, #tpu.memory_space<hbm>>
    tpu.wait_indirect_dma semaphore(%arg11 : memref<!tpu.dma_semaphore, #tpu.memory_space<semaphore_mem>>) src(%dma_wait3A_54 : memref<20000x80xf32, #tpu.memory_space<hbm>>) dst(%dma_wait3A_49 : memref<80x80xf32, #tpu.memory_space<vmem>>)
    %dma_start3A_55 = arith.constant 0 : i32
    %dma_start3A_56 = arith.constant 248 : i32
    %dma_start3A_57 = arith.constant 0 : i32
    %dma_start3A_58 = arith.constant 0 : i32
    %dma_start3A_59 = tpu.memref_slice %arg8[%dma_start3A_55, %dma_start3A_57, %dma_start3A_58] : memref<4x80x80xf32, #tpu.memory_space<vmem>> -> memref<1x80x80xf32, #tpu.memory_space<vmem>>
    %dma_start3A_60 = tpu.memref_squeeze %dma_start3A_59 : memref<1x80x80xf32, #tpu.memory_space<vmem>> -> memref<80x80xf32, #tpu.memory_space<vmem>>
    %dma_start3A_61 = arith.constant 0 : i32
    %dma_start3A_62 = tpu.memref_slice %arg7[%dma_start3A_56, %dma_start3A_61] : memref<250x80xi32, #tpu.memory_space<vmem>> -> memref<1x80xi32, #tpu.memory_space<vmem>>
    %dma_start3A_63 = tpu.memref_squeeze %dma_start3A_62 : memref<1x80xi32, #tpu.memory_space<vmem>> -> memref<80xi32, #tpu.memory_space<vmem>>
    %dma_start3A_64 = arith.constant 0 : i32
    %dma_start3A_65 = arith.constant 0 : i32
    %dma_start3A_66 = tpu.memref_slice %arg10[%dma_start3A_64, %dma_start3A_65] : memref<10240x80xf32, #tpu.memory_space<vmem_shared>> -> memref<10240x80xf32, #tpu.memory_space<vmem_shared>>
    tpu.enqueue_indirect_dma source(%dma_start3A_60 : memref<80x80xf32, #tpu.memory_space<vmem>>) target(%dma_start3A_66 : memref<10240x80xf32, #tpu.memory_space<vmem_shared>>) offsets(%dma_start3A_63 : memref<80xi32, #tpu.memory_space<vmem>>) semaphore(%arg13 : memref<!tpu.dma_semaphore, #tpu.memory_space<semaphore_mem>>) {add = true}
    %dma_start3A_67 = arith.constant 1 : i32
    %dma_start3A_68 = arith.constant 249 : i32
    %dma_start3A_69 = arith.constant 0 : i32
    %dma_start3A_70 = arith.constant 0 : i32
    %dma_start3A_71 = tpu.memref_slice %arg8[%dma_start3A_67, %dma_start3A_69, %dma_start3A_70] : memref<4x80x80xf32, #tpu.memory_space<vmem>> -> memref<1x80x80xf32, #tpu.memory_space<vmem>>
    %dma_start3A_72 = tpu.memref_squeeze %dma_start3A_71 : memref<1x80x80xf32, #tpu.memory_space<vmem>> -> memref<80x80xf32, #tpu.memory_space<vmem>>
    %dma_start3A_73 = arith.constant 0 : i32
    %dma_start3A_74 = tpu.memref_slice %arg7[%dma_start3A_68, %dma_start3A_73] : memref<250x80xi32, #tpu.memory_space<vmem>> -> memref<1x80xi32, #tpu.memory_space<vmem>>
    %dma_start3A_75 = tpu.memref_squeeze %dma_start3A_74 : memref<1x80xi32, #tpu.memory_space<vmem>> -> memref<80xi32, #tpu.memory_space<vmem>>
    %dma_start3A_76 = arith.constant 0 : i32
    %dma_start3A_77 = arith.constant 0 : i32
    %dma_start3A_78 = tpu.memref_slice %arg10[%dma_start3A_76, %dma_start3A_77] : memref<10240x80xf32, #tpu.memory_space<vmem_shared>> -> memref<10240x80xf32, #tpu.memory_space<vmem_shared>>
    tpu.enqueue_indirect_dma source(%dma_start3A_72 : memref<80x80xf32, #tpu.memory_space<vmem>>) target(%dma_start3A_78 : memref<10240x80xf32, #tpu.memory_space<vmem_shared>>) offsets(%dma_start3A_75 : memref<80xi32, #tpu.memory_space<vmem>>) semaphore(%arg13 : memref<!tpu.dma_semaphore, #tpu.memory_space<semaphore_mem>>) {add = true}
    %dma_wait3A_79 = arith.constant 0 : i32
    %dma_wait3A_80 = arith.constant 248 : i32
    %dma_wait3A_81 = arith.constant 0 : i32
    %dma_wait3A_82 = arith.constant 0 : i32
    %dma_wait3A_83 = tpu.memref_slice %arg8[%dma_wait3A_79, %dma_wait3A_81, %dma_wait3A_82] : memref<4x80x80xf32, #tpu.memory_space<vmem>> -> memref<1x80x80xf32, #tpu.memory_space<vmem>>
    %dma_wait3A_84 = tpu.memref_squeeze %dma_wait3A_83 : memref<1x80x80xf32, #tpu.memory_space<vmem>> -> memref<80x80xf32, #tpu.memory_space<vmem>>
    %dma_wait3A_85 = arith.constant 0 : i32
    %dma_wait3A_86 = tpu.memref_slice %arg7[%dma_wait3A_80, %dma_wait3A_85] : memref<250x80xi32, #tpu.memory_space<vmem>> -> memref<1x80xi32, #tpu.memory_space<vmem>>
    %dma_wait3A_87 = tpu.memref_squeeze %dma_wait3A_86 : memref<1x80xi32, #tpu.memory_space<vmem>> -> memref<80xi32, #tpu.memory_space<vmem>>
    %dma_wait3A_88 = arith.constant 0 : i32
    %dma_wait3A_89 = arith.constant 0 : i32
    %dma_wait3A_90 = tpu.memref_slice %arg10[%dma_wait3A_88, %dma_wait3A_89] : memref<10240x80xf32, #tpu.memory_space<vmem_shared>> -> memref<10240x80xf32, #tpu.memory_space<vmem_shared>>
    tpu.wait_indirect_dma semaphore(%arg13 : memref<!tpu.dma_semaphore, #tpu.memory_space<semaphore_mem>>) src(%dma_wait3A_84 : memref<80x80xf32, #tpu.memory_space<vmem>>) dst(%dma_wait3A_90 : memref<10240x80xf32, #tpu.memory_space<vmem_shared>>)
    %dma_wait3A_91 = arith.constant 1 : i32
    %dma_wait3A_92 = arith.constant 249 : i32
    %dma_wait3A_93 = arith.constant 0 : i32
    %dma_wait3A_94 = arith.constant 0 : i32
    %dma_wait3A_95 = tpu.memref_slice %arg8[%dma_wait3A_91, %dma_wait3A_93, %dma_wait3A_94] : memref<4x80x80xf32, #tpu.memory_space<vmem>> -> memref<1x80x80xf32, #tpu.memory_space<vmem>>
    %dma_wait3A_96 = tpu.memref_squeeze %dma_wait3A_95 : memref<1x80x80xf32, #tpu.memory_space<vmem>> -> memref<80x80xf32, #tpu.memory_space<vmem>>
    %dma_wait3A_97 = arith.constant 0 : i32
    %dma_wait3A_98 = tpu.memref_slice %arg7[%dma_wait3A_92, %dma_wait3A_97] : memref<250x80xi32, #tpu.memory_space<vmem>> -> memref<1x80xi32, #tpu.memory_space<vmem>>
    %dma_wait3A_99 = tpu.memref_squeeze %dma_wait3A_98 : memref<1x80xi32, #tpu.memory_space<vmem>> -> memref<80xi32, #tpu.memory_space<vmem>>
    %dma_wait3A_100 = arith.constant 0 : i32
    %dma_wait3A_101 = arith.constant 0 : i32
    %dma_wait3A_102 = tpu.memref_slice %arg10[%dma_wait3A_100, %dma_wait3A_101] : memref<10240x80xf32, #tpu.memory_space<vmem_shared>> -> memref<10240x80xf32, #tpu.memory_space<vmem_shared>>
    tpu.wait_indirect_dma semaphore(%arg13 : memref<!tpu.dma_semaphore, #tpu.memory_space<semaphore_mem>>) src(%dma_wait3A_96 : memref<80x80xf32, #tpu.memory_space<vmem>>) dst(%dma_wait3A_102 : memref<10240x80xf32, #tpu.memory_space<vmem_shared>>)
    %barrier3A_103 = arith.constant 0 : index
    tpu.barrier barrier_id(%barrier3A_103)
    %lt3A = arith.constant 15 : i32
    %lt3A_104 = arith.cmpi slt, %arg1, %lt3A : i32
    %convert_element_type3A_105 = arith.extui %lt3A_104 : i1 to i32
    %cond3A_106 = arith.constant 0 : i32
    %cond3A_107 = arith.cmpi ne, %convert_element_type3A_105, %cond3A_106 : i32
    scf.if %cond3A_107 {
      %mul3A_113 = arith.constant 640 : i32
      %mul3A_114 = arith.muli %arg1, %mul3A_113 : i32
      %mul3A_115 = arith.constant 640 : i32
      %mul3A_116 = arith.muli %arg1, %mul3A_115 : i32
      "tpu.region"() ({
        %run_scoped3A = tpu.sem_alloc : memref<!tpu.dma_semaphore, #tpu.memory_space<semaphore_mem>>
        %dma_start3A_117 = arith.constant 0 : i32
        %dma_start3A_118 = tpu.memref_slice %arg5[%arg0, %mul3A_116, %dma_start3A_117] : memref<2x10000x80xf32, #tpu.memory_space<hbm>> -> memref<1x640x80xf32, #tpu.memory_space<hbm>>
        %dma_start3A_119 = tpu.memref_squeeze %dma_start3A_118 : memref<1x640x80xf32, #tpu.memory_space<hbm>> -> memref<640x80xf32, #tpu.memory_space<hbm>>
        %dma_start3A_120 = arith.constant 0 : i32
        %dma_start3A_121 = tpu.memref_slice %arg10[%mul3A_114, %dma_start3A_120] : memref<10240x80xf32, #tpu.memory_space<vmem_shared>> -> memref<640x80xf32, #tpu.memory_space<vmem_shared>>
        tpu.enqueue_dma source(%dma_start3A_121 : memref<640x80xf32, #tpu.memory_space<vmem_shared>>) target(%dma_start3A_119 : memref<640x80xf32, #tpu.memory_space<hbm>>) target_semaphore(%run_scoped3A : memref<!tpu.dma_semaphore, #tpu.memory_space<semaphore_mem>>)
        %dma_wait3A_122 = arith.constant 0 : i32
        %dma_wait3A_123 = tpu.memref_slice %arg5[%arg0, %mul3A_116, %dma_wait3A_122] : memref<2x10000x80xf32, #tpu.memory_space<hbm>> -> memref<1x640x80xf32, #tpu.memory_space<hbm>>
        %dma_wait3A_124 = tpu.memref_squeeze %dma_wait3A_123 : memref<1x640x80xf32, #tpu.memory_space<hbm>> -> memref<640x80xf32, #tpu.memory_space<hbm>>
        %dma_wait3A_125 = arith.constant 0 : i32
        %dma_wait3A_126 = tpu.memref_slice %arg10[%mul3A_114, %dma_wait3A_125] : memref<10240x80xf32, #tpu.memory_space<vmem_shared>> -> memref<640x80xf32, #tpu.memory_space<vmem_shared>>
        tpu.wait_dma2 semaphore(%run_scoped3A : memref<!tpu.dma_semaphore, #tpu.memory_space<semaphore_mem>>) src(%dma_wait3A_126 : memref<640x80xf32, #tpu.memory_space<vmem_shared>>) dst(%dma_wait3A_124 : memref<640x80xf32, #tpu.memory_space<hbm>>)
        tpu.yield
      }) : () -> ()
    } else {
    }
    %eq3A_108 = arith.constant 15 : i32
    %eq3A_109 = arith.cmpi eq, %arg1, %eq3A_108 : i32
    %convert_element_type3A_110 = arith.extui %eq3A_109 : i1 to i32
    %cond3A_111 = arith.constant 0 : i32
    %cond3A_112 = arith.cmpi ne, %convert_element_type3A_110, %cond3A_111 : i32
    scf.if %cond3A_112 {
      "tpu.region"() ({
        %run_scoped3A = tpu.sem_alloc : memref<!tpu.dma_semaphore, #tpu.memory_space<semaphore_mem>>
        %dma_start3A_113 = arith.constant 9600 : i32
        %dma_start3A_114 = arith.constant 0 : i32
        %dma_start3A_115 = tpu.memref_slice %arg5[%arg0, %dma_start3A_113, %dma_start3A_114] : memref<2x10000x80xf32, #tpu.memory_space<hbm>> -> memref<1x400x80xf32, #tpu.memory_space<hbm>>
        %dma_start3A_116 = tpu.memref_squeeze %dma_start3A_115 : memref<1x400x80xf32, #tpu.memory_space<hbm>> -> memref<400x80xf32, #tpu.memory_space<hbm>>
        %dma_start3A_117 = arith.constant 9600 : i32
        %dma_start3A_118 = arith.constant 0 : i32
        %dma_start3A_119 = tpu.memref_slice %arg10[%dma_start3A_117, %dma_start3A_118] : memref<10240x80xf32, #tpu.memory_space<vmem_shared>> -> memref<400x80xf32, #tpu.memory_space<vmem_shared>>
        tpu.enqueue_dma source(%dma_start3A_119 : memref<400x80xf32, #tpu.memory_space<vmem_shared>>) target(%dma_start3A_116 : memref<400x80xf32, #tpu.memory_space<hbm>>) target_semaphore(%run_scoped3A : memref<!tpu.dma_semaphore, #tpu.memory_space<semaphore_mem>>)
        %dma_wait3A_120 = arith.constant 9600 : i32
        %dma_wait3A_121 = arith.constant 0 : i32
        %dma_wait3A_122 = tpu.memref_slice %arg5[%arg0, %dma_wait3A_120, %dma_wait3A_121] : memref<2x10000x80xf32, #tpu.memory_space<hbm>> -> memref<1x400x80xf32, #tpu.memory_space<hbm>>
        %dma_wait3A_123 = tpu.memref_squeeze %dma_wait3A_122 : memref<1x400x80xf32, #tpu.memory_space<hbm>> -> memref<400x80xf32, #tpu.memory_space<hbm>>
        %dma_wait3A_124 = arith.constant 9600 : i32
        %dma_wait3A_125 = arith.constant 0 : i32
        %dma_wait3A_126 = tpu.memref_slice %arg10[%dma_wait3A_124, %dma_wait3A_125] : memref<10240x80xf32, #tpu.memory_space<vmem_shared>> -> memref<400x80xf32, #tpu.memory_space<vmem_shared>>
        tpu.wait_dma2 semaphore(%run_scoped3A : memref<!tpu.dma_semaphore, #tpu.memory_space<semaphore_mem>>) src(%dma_wait3A_126 : memref<400x80xf32, #tpu.memory_space<vmem_shared>>) dst(%dma_wait3A_123 : memref<400x80xf32, #tpu.memory_space<hbm>>)
        tpu.yield
      }) : () -> ()
    } else {
    }
    return
  }
}

module attributes {stable_mosaic.version = 14 : i64} {
  func.func @_dense_body(%arg0: memref<2x10000x80xf32, #tpu.memory_space<vmem>>, %arg1: memref<10000x16xf32, #tpu.memory_space<vmem>>, %arg2: memref<1250x128xf32, #tpu.memory_space<vmem>>, %arg3: memref<1250x128xf32, #tpu.memory_space<vmem>>, %arg4: memref<16x128xf32, #tpu.memory_space<vmem>>, %arg5: memref<1x128xf32, #tpu.memory_space<vmem>>, %arg6: memref<128x256xf32, #tpu.memory_space<vmem>>, %arg7: memref<1x256xf32, #tpu.memory_space<vmem>>, %arg8: memref<256x8xf32, #tpu.memory_space<vmem>>, %arg9: memref<1x8xf32, #tpu.memory_space<vmem>>, %arg10: memref<128x128xf32, #tpu.memory_space<vmem>>, %arg11: memref<8x128xf32, #tpu.memory_space<vmem>>, %arg12: memref<1x128xf32, #tpu.memory_space<vmem>>, %arg13: memref<1x128xf32, #tpu.memory_space<vmem>>, %arg14: memref<1x128xf32, #tpu.memory_space<vmem>>, %arg15: memref<128x128xf32, #tpu.memory_space<vmem>>, %arg16: memref<1x128xf32, #tpu.memory_space<vmem>>, %arg17: memref<10000x128xf32, #tpu.memory_space<vmem>>, %arg18: memref<10000x16xf32, #tpu.memory_space<vmem>>) attributes {dimension_semantics = [], scalar_prefetch = 0 : i64, scratch_operands = 0 : i64, tpu.core_type = #tpu.core_type<tc>} {
    %get3A = arith.constant 0 : index
    %get3A_0 = arith.constant 0 : index
    %get3A_1 = arith.constant 0 : index
    %get3A_2 = vector.load %arg0[%get3A, %get3A_0, %get3A_1] : memref<2x10000x80xf32, #tpu.memory_space<vmem>>, vector<1x10000x80xf32>
    %get3A_3 = vector.shape_cast %get3A_2 : vector<1x10000x80xf32> to vector<10000x80xf32>
    %get3A_4 = arith.constant 1 : index
    %get3A_5 = arith.constant 0 : index
    %get3A_6 = arith.constant 0 : index
    %get3A_7 = vector.load %arg0[%get3A_4, %get3A_5, %get3A_6] : memref<2x10000x80xf32, #tpu.memory_space<vmem>>, vector<1x10000x80xf32>
    %get3A_8 = vector.shape_cast %get3A_7 : vector<1x10000x80xf32> to vector<10000x80xf32>
    %slice3A = vector.extract_strided_slice %get3A_8 {offsets = [0, 0], sizes = [10000, 48], strides = [1, 1]} : vector<10000x80xf32> to vector<10000x48xf32>
    %concatenate3A = tpu.concatenate %get3A_3, %slice3A in 1 : vector<10000x80xf32>, vector<10000x48xf32> -> vector<10000x128xf32>
    %get3A_9 = arith.constant 1 : index
    %get3A_10 = arith.constant 0 : index
    %get3A_11 = arith.constant 0 : index
    %get3A_12 = vector.load %arg0[%get3A_9, %get3A_10, %get3A_11] : memref<2x10000x80xf32, #tpu.memory_space<vmem>>, vector<1x10000x80xf32>
    %get3A_13 = vector.shape_cast %get3A_12 : vector<1x10000x80xf32> to vector<10000x80xf32>
    %slice3A_14 = vector.extract_strided_slice %get3A_13 {offsets = [0, 48], sizes = [10000, 16], strides = [1, 1]} : vector<10000x80xf32> to vector<10000x16xf32>
    %get3A_15 = arith.constant 0 : index
    %get3A_16 = arith.constant 0 : index
    %get3A_17 = vector.load %arg1[%get3A_15, %get3A_16] : memref<10000x16xf32, #tpu.memory_space<vmem>>, vector<10000x16xf32>
    %add3A = arith.addf %slice3A_14, %get3A_17 : vector<10000x16xf32>
    %swap3A = arith.constant 0 : index
    %swap3A_18 = arith.constant 0 : index
    %swap3A_19 = vector.load %arg18[%swap3A, %swap3A_18] : memref<10000x16xf32, #tpu.memory_space<vmem>>, vector<10000x16xf32>
    tpu.vector_store %arg18[%swap3A, %swap3A_18], %add3A {strides = array<i32>} : memref<10000x16xf32, #tpu.memory_space<vmem>>, vector<10000x16xf32>,
    %get3A_20 = arith.constant 0 : index
    %get3A_21 = arith.constant 0 : index
    %get3A_22 = vector.load %arg2[%get3A_20, %get3A_21] : memref<1250x128xf32, #tpu.memory_space<vmem>>, vector<1250x128xf32>
    %get3A_23 = arith.constant 0 : index
    %get3A_24 = arith.constant 0 : index
    %get3A_25 = vector.load %arg3[%get3A_23, %get3A_24] : memref<1250x128xf32, #tpu.memory_space<vmem>>, vector<1250x128xf32>
    %add3A_26 = arith.addf %get3A_22, %get3A_25 : vector<1250x128xf32>
    %iota3A = tpu.iota {dimensions = array<i32: 1>} : vector<1x128xi32>
    %and3A = arith.constant 15 : i32
    %and3A_27 = vector.broadcast %and3A : i32 to vector<1x128xi32>
    %and3A_28 = arith.andi %iota3A, %and3A_27 : vector<1x128xi32>
    %broadcast_in_dim3A = arith.constant 0.000000e+00 : f32
    %broadcast_in_dim3A_29 = vector.broadcast %broadcast_in_dim3A : f32 to vector<1250x1xf32>
    %slice3A_30 = vector.extract_strided_slice %add3A_26 {offsets = [0, 1], sizes = [1250, 127], strides = [1, 1]} : vector<1250x128xf32> to vector<1250x127xf32>
    %concatenate3A_31 = tpu.concatenate %slice3A_30, %broadcast_in_dim3A_29 in 1 : vector<1250x127xf32>, vector<1250x1xf32> -> vector<1250x128xf32>
    %slice3A_32 = vector.extract_strided_slice %add3A_26 {offsets = [0, 0], sizes = [1250, 127], strides = [1, 1]} : vector<1250x128xf32> to vector<1250x127xf32>
    %concatenate3A_33 = tpu.concatenate %broadcast_in_dim3A_29, %slice3A_32 in 1 : vector<1250x1xf32>, vector<1250x127xf32> -> vector<1250x128xf32>
    %and3A_34 = arith.constant 1 : i32
    %and3A_35 = vector.broadcast %and3A_34 : i32 to vector<1x128xi32>
    %and3A_36 = arith.andi %and3A_28, %and3A_35 : vector<1x128xi32>
    %eq3A = arith.constant 0 : i32
    %eq3A_37 = vector.broadcast %eq3A : i32 to vector<1x128xi32>
    %eq3A_38 = arith.cmpi eq, %and3A_36, %eq3A_37 : vector<1x128xi32>
    %broadcast_in_dim3A_39 = vector.shape_cast %eq3A_38 : vector<1x128xi1> to vector<1x128xi1>
    %broadcast_in_dim3A_40 = vector.broadcast %broadcast_in_dim3A_39 : vector<1x128xi1> to vector<1250x128xi1>
    %select_n3A = arith.select %broadcast_in_dim3A_40, %concatenate3A_31, %concatenate3A_33 : vector<1250x128xi1>, vector<1250x128xf32>
    %and3A_41 = arith.constant 2 : i32
    %and3A_42 = vector.broadcast %and3A_41 : i32 to vector<1x128xi32>
    %and3A_43 = arith.andi %and3A_28, %and3A_42 : vector<1x128xi32>
    %eq3A_44 = arith.constant 0 : i32
    %eq3A_45 = vector.broadcast %eq3A_44 : i32 to vector<1x128xi32>
    %eq3A_46 = arith.cmpi eq, %and3A_43, %eq3A_45 : vector<1x128xi32>
    %eq3A_47 = arith.xori %eq3A_38, %eq3A_46 : vector<1x128xi1>
    %eq3A_48 = arith.constant dense<true> : vector<1x128xi1>
    %eq3A_49 = arith.xori %eq3A_47, %eq3A_48 : vector<1x128xi1>
    %min3A = arith.minimumf %add3A_26, %select_n3A : vector<1250x128xf32>
    %max3A = arith.maximumf %add3A_26, %select_n3A : vector<1250x128xf32>
    %broadcast_in_dim3A_50 = vector.shape_cast %eq3A_49 : vector<1x128xi1> to vector<1x128xi1>
    %broadcast_in_dim3A_51 = vector.broadcast %broadcast_in_dim3A_50 : vector<1x128xi1> to vector<1250x128xi1>
    %select_n3A_52 = arith.select %broadcast_in_dim3A_51, %min3A, %max3A : vector<1250x128xi1>, vector<1250x128xf32>
    %broadcast_in_dim3A_53 = arith.constant 0.000000e+00 : f32
    %broadcast_in_dim3A_54 = vector.broadcast %broadcast_in_dim3A_53 : f32 to vector<1250x2xf32>
    %slice3A_55 = vector.extract_strided_slice %select_n3A_52 {offsets = [0, 2], sizes = [1250, 126], strides = [1, 1]} : vector<1250x128xf32> to vector<1250x126xf32>
    %concatenate3A_56 = tpu.concatenate %slice3A_55, %broadcast_in_dim3A_54 in 1 : vector<1250x126xf32>, vector<1250x2xf32> -> vector<1250x128xf32>
    %slice3A_57 = vector.extract_strided_slice %select_n3A_52 {offsets = [0, 0], sizes = [1250, 126], strides = [1, 1]} : vector<1250x128xf32> to vector<1250x126xf32>
    %concatenate3A_58 = tpu.concatenate %broadcast_in_dim3A_54, %slice3A_57 in 1 : vector<1250x2xf32>, vector<1250x126xf32> -> vector<1250x128xf32>
    %and3A_59 = arith.constant 2 : i32
    %and3A_60 = vector.broadcast %and3A_59 : i32 to vector<1x128xi32>
    %and3A_61 = arith.andi %and3A_28, %and3A_60 : vector<1x128xi32>
    %eq3A_62 = arith.constant 0 : i32
    %eq3A_63 = vector.broadcast %eq3A_62 : i32 to vector<1x128xi32>
    %eq3A_64 = arith.cmpi eq, %and3A_61, %eq3A_63 : vector<1x128xi32>
    %broadcast_in_dim3A_65 = vector.shape_cast %eq3A_64 : vector<1x128xi1> to vector<1x128xi1>
    %broadcast_in_dim3A_66 = vector.broadcast %broadcast_in_dim3A_65 : vector<1x128xi1> to vector<1250x128xi1>
    %select_n3A_67 = arith.select %broadcast_in_dim3A_66, %concatenate3A_56, %concatenate3A_58 : vector<1250x128xi1>, vector<1250x128xf32>
    %and3A_68 = arith.constant 4 : i32
    %and3A_69 = vector.broadcast %and3A_68 : i32 to vector<1x128xi32>
    %and3A_70 = arith.andi %and3A_28, %and3A_69 : vector<1x128xi32>
    %eq3A_71 = arith.constant 0 : i32
    %eq3A_72 = vector.broadcast %eq3A_71 : i32 to vector<1x128xi32>
    %eq3A_73 = arith.cmpi eq, %and3A_70, %eq3A_72 : vector<1x128xi32>
    %eq3A_74 = arith.xori %eq3A_64, %eq3A_73 : vector<1x128xi1>
    %eq3A_75 = arith.constant dense<true> : vector<1x128xi1>
    %eq3A_76 = arith.xori %eq3A_74, %eq3A_75 : vector<1x128xi1>
    %min3A_77 = arith.minimumf %select_n3A_52, %select_n3A_67 : vector<1250x128xf32>
    %max3A_78 = arith.maximumf %select_n3A_52, %select_n3A_67 : vector<1250x128xf32>
    %broadcast_in_dim3A_79 = vector.shape_cast %eq3A_76 : vector<1x128xi1> to vector<1x128xi1>
    %broadcast_in_dim3A_80 = vector.broadcast %broadcast_in_dim3A_79 : vector<1x128xi1> to vector<1250x128xi1>
    %select_n3A_81 = arith.select %broadcast_in_dim3A_80, %min3A_77, %max3A_78 : vector<1250x128xi1>, vector<1250x128xf32>
    %broadcast_in_dim3A_82 = arith.constant 0.000000e+00 : f32
    %broadcast_in_dim3A_83 = vector.broadcast %broadcast_in_dim3A_82 : f32 to vector<1250x1xf32>
    %slice3A_84 = vector.extract_strided_slice %select_n3A_81 {offsets = [0, 1], sizes = [1250, 127], strides = [1, 1]} : vector<1250x128xf32> to vector<1250x127xf32>
    %concatenate3A_85 = tpu.concatenate %slice3A_84, %broadcast_in_dim3A_83 in 1 : vector<1250x127xf32>, vector<1250x1xf32> -> vector<1250x128xf32>
    %slice3A_86 = vector.extract_strided_slice %select_n3A_81 {offsets = [0, 0], sizes = [1250, 127], strides = [1, 1]} : vector<1250x128xf32> to vector<1250x127xf32>
    %concatenate3A_87 = tpu.concatenate %broadcast_in_dim3A_83, %slice3A_86 in 1 : vector<1250x1xf32>, vector<1250x127xf32> -> vector<1250x128xf32>
    %and3A_88 = arith.constant 1 : i32
    %and3A_89 = vector.broadcast %and3A_88 : i32 to vector<1x128xi32>
    %and3A_90 = arith.andi %and3A_28, %and3A_89 : vector<1x128xi32>
    %eq3A_91 = arith.constant 0 : i32
    %eq3A_92 = vector.broadcast %eq3A_91 : i32 to vector<1x128xi32>
    %eq3A_93 = arith.cmpi eq, %and3A_90, %eq3A_92 : vector<1x128xi32>
    %broadcast_in_dim3A_94 = vector.shape_cast %eq3A_93 : vector<1x128xi1> to vector<1x128xi1>
    %broadcast_in_dim3A_95 = vector.broadcast %broadcast_in_dim3A_94 : vector<1x128xi1> to vector<1250x128xi1>
    %select_n3A_96 = arith.select %broadcast_in_dim3A_95, %concatenate3A_85, %concatenate3A_87 : vector<1250x128xi1>, vector<1250x128xf32>
    %and3A_97 = arith.constant 4 : i32
    %and3A_98 = vector.broadcast %and3A_97 : i32 to vector<1x128xi32>
    %and3A_99 = arith.andi %and3A_28, %and3A_98 : vector<1x128xi32>
    %eq3A_100 = arith.constant 0 : i32
    %eq3A_101 = vector.broadcast %eq3A_100 : i32 to vector<1x128xi32>
    %eq3A_102 = arith.cmpi eq, %and3A_99, %eq3A_101 : vector<1x128xi32>
    %eq3A_103 = arith.xori %eq3A_93, %eq3A_102 : vector<1x128xi1>
    %eq3A_104 = arith.constant dense<true> : vector<1x128xi1>
    %eq3A_105 = arith.xori %eq3A_103, %eq3A_104 : vector<1x128xi1>
    %min3A_106 = arith.minimumf %select_n3A_81, %select_n3A_96 : vector<1250x128xf32>
    %max3A_107 = arith.maximumf %select_n3A_81, %select_n3A_96 : vector<1250x128xf32>
    %broadcast_in_dim3A_108 = vector.shape_cast %eq3A_105 : vector<1x128xi1> to vector<1x128xi1>
    %broadcast_in_dim3A_109 = vector.broadcast %broadcast_in_dim3A_108 : vector<1x128xi1> to vector<1250x128xi1>
    %select_n3A_110 = arith.select %broadcast_in_dim3A_109, %min3A_106, %max3A_107 : vector<1250x128xi1>, vector<1250x128xf32>
    %broadcast_in_dim3A_111 = arith.constant 0.000000e+00 : f32
    %broadcast_in_dim3A_112 = vector.broadcast %broadcast_in_dim3A_111 : f32 to vector<1250x4xf32>
    %slice3A_113 = vector.extract_strided_slice %select_n3A_110 {offsets = [0, 4], sizes = [1250, 124], strides = [1, 1]} : vector<1250x128xf32> to vector<1250x124xf32>
    %concatenate3A_114 = tpu.concatenate %slice3A_113, %broadcast_in_dim3A_112 in 1 : vector<1250x124xf32>, vector<1250x4xf32> -> vector<1250x128xf32>
    %slice3A_115 = vector.extract_strided_slice %select_n3A_110 {offsets = [0, 0], sizes = [1250, 124], strides = [1, 1]} : vector<1250x128xf32> to vector<1250x124xf32>
    %concatenate3A_116 = tpu.concatenate %broadcast_in_dim3A_112, %slice3A_115 in 1 : vector<1250x4xf32>, vector<1250x124xf32> -> vector<1250x128xf32>
    %and3A_117 = arith.constant 4 : i32
    %and3A_118 = vector.broadcast %and3A_117 : i32 to vector<1x128xi32>
    %and3A_119 = arith.andi %and3A_28, %and3A_118 : vector<1x128xi32>
    %eq3A_120 = arith.constant 0 : i32
    %eq3A_121 = vector.broadcast %eq3A_120 : i32 to vector<1x128xi32>
    %eq3A_122 = arith.cmpi eq, %and3A_119, %eq3A_121 : vector<1x128xi32>
    %broadcast_in_dim3A_123 = vector.shape_cast %eq3A_122 : vector<1x128xi1> to vector<1x128xi1>
    %broadcast_in_dim3A_124 = vector.broadcast %broadcast_in_dim3A_123 : vector<1x128xi1> to vector<1250x128xi1>
    %select_n3A_125 = arith.select %broadcast_in_dim3A_124, %concatenate3A_114, %concatenate3A_116 : vector<1250x128xi1>, vector<1250x128xf32>
    %and3A_126 = arith.constant 8 : i32
    %and3A_127 = vector.broadcast %and3A_126 : i32 to vector<1x128xi32>
    %and3A_128 = arith.andi %and3A_28, %and3A_127 : vector<1x128xi32>
    %eq3A_129 = arith.constant 0 : i32
    %eq3A_130 = vector.broadcast %eq3A_129 : i32 to vector<1x128xi32>
    %eq3A_131 = arith.cmpi eq, %and3A_128, %eq3A_130 : vector<1x128xi32>
    %eq3A_132 = arith.xori %eq3A_122, %eq3A_131 : vector<1x128xi1>
    %eq3A_133 = arith.constant dense<true> : vector<1x128xi1>
    %eq3A_134 = arith.xori %eq3A_132, %eq3A_133 : vector<1x128xi1>
    %min3A_135 = arith.minimumf %select_n3A_110, %select_n3A_125 : vector<1250x128xf32>
    %max3A_136 = arith.maximumf %select_n3A_110, %select_n3A_125 : vector<1250x128xf32>
    %broadcast_in_dim3A_137 = vector.shape_cast %eq3A_134 : vector<1x128xi1> to vector<1x128xi1>
    %broadcast_in_dim3A_138 = vector.broadcast %broadcast_in_dim3A_137 : vector<1x128xi1> to vector<1250x128xi1>
    %select_n3A_139 = arith.select %broadcast_in_dim3A_138, %min3A_135, %max3A_136 : vector<1250x128xi1>, vector<1250x128xf32>
    %broadcast_in_dim3A_140 = arith.constant 0.000000e+00 : f32
    %broadcast_in_dim3A_141 = vector.broadcast %broadcast_in_dim3A_140 : f32 to vector<1250x2xf32>
    %slice3A_142 = vector.extract_strided_slice %select_n3A_139 {offsets = [0, 2], sizes = [1250, 126], strides = [1, 1]} : vector<1250x128xf32> to vector<1250x126xf32>
    %concatenate3A_143 = tpu.concatenate %slice3A_142, %broadcast_in_dim3A_141 in 1 : vector<1250x126xf32>, vector<1250x2xf32> -> vector<1250x128xf32>
    %slice3A_144 = vector.extract_strided_slice %select_n3A_139 {offsets = [0, 0], sizes = [1250, 126], strides = [1, 1]} : vector<1250x128xf32> to vector<1250x126xf32>
    %concatenate3A_145 = tpu.concatenate %broadcast_in_dim3A_141, %slice3A_144 in 1 : vector<1250x2xf32>, vector<1250x126xf32> -> vector<1250x128xf32>
    %and3A_146 = arith.constant 2 : i32
    %and3A_147 = vector.broadcast %and3A_146 : i32 to vector<1x128xi32>
    %and3A_148 = arith.andi %and3A_28, %and3A_147 : vector<1x128xi32>
    %eq3A_149 = arith.constant 0 : i32
    %eq3A_150 = vector.broadcast %eq3A_149 : i32 to vector<1x128xi32>
    %eq3A_151 = arith.cmpi eq, %and3A_148, %eq3A_150 : vector<1x128xi32>
    %broadcast_in_dim3A_152 = vector.shape_cast %eq3A_151 : vector<1x128xi1> to vector<1x128xi1>
    %broadcast_in_dim3A_153 = vector.broadcast %broadcast_in_dim3A_152 : vector<1x128xi1> to vector<1250x128xi1>
    %select_n3A_154 = arith.select %broadcast_in_dim3A_153, %concatenate3A_143, %concatenate3A_145 : vector<1250x128xi1>, vector<1250x128xf32>
    %and3A_155 = arith.constant 8 : i32
    %and3A_156 = vector.broadcast %and3A_155 : i32 to vector<1x128xi32>
    %and3A_157 = arith.andi %and3A_28, %and3A_156 : vector<1x128xi32>
    %eq3A_158 = arith.constant 0 : i32
    %eq3A_159 = vector.broadcast %eq3A_158 : i32 to vector<1x128xi32>
    %eq3A_160 = arith.cmpi eq, %and3A_157, %eq3A_159 : vector<1x128xi32>
    %eq3A_161 = arith.xori %eq3A_151, %eq3A_160 : vector<1x128xi1>
    %eq3A_162 = arith.constant dense<true> : vector<1x128xi1>
    %eq3A_163 = arith.xori %eq3A_161, %eq3A_162 : vector<1x128xi1>
    %min3A_164 = arith.minimumf %select_n3A_139, %select_n3A_154 : vector<1250x128xf32>
    %max3A_165 = arith.maximumf %select_n3A_139, %select_n3A_154 : vector<1250x128xf32>
    %broadcast_in_dim3A_166 = vector.shape_cast %eq3A_163 : vector<1x128xi1> to vector<1x128xi1>
    %broadcast_in_dim3A_167 = vector.broadcast %broadcast_in_dim3A_166 : vector<1x128xi1> to vector<1250x128xi1>
    %select_n3A_168 = arith.select %broadcast_in_dim3A_167, %min3A_164, %max3A_165 : vector<1250x128xi1>, vector<1250x128xf32>
    %broadcast_in_dim3A_169 = arith.constant 0.000000e+00 : f32
    %broadcast_in_dim3A_170 = vector.broadcast %broadcast_in_dim3A_169 : f32 to vector<1250x1xf32>
    %slice3A_171 = vector.extract_strided_slice %select_n3A_168 {offsets = [0, 1], sizes = [1250, 127], strides = [1, 1]} : vector<1250x128xf32> to vector<1250x127xf32>
    %concatenate3A_172 = tpu.concatenate %slice3A_171, %broadcast_in_dim3A_170 in 1 : vector<1250x127xf32>, vector<1250x1xf32> -> vector<1250x128xf32>
    %slice3A_173 = vector.extract_strided_slice %select_n3A_168 {offsets = [0, 0], sizes = [1250, 127], strides = [1, 1]} : vector<1250x128xf32> to vector<1250x127xf32>
    %concatenate3A_174 = tpu.concatenate %broadcast_in_dim3A_170, %slice3A_173 in 1 : vector<1250x1xf32>, vector<1250x127xf32> -> vector<1250x128xf32>
    %and3A_175 = arith.constant 1 : i32
    %and3A_176 = vector.broadcast %and3A_175 : i32 to vector<1x128xi32>
    %and3A_177 = arith.andi %and3A_28, %and3A_176 : vector<1x128xi32>
    %eq3A_178 = arith.constant 0 : i32
    %eq3A_179 = vector.broadcast %eq3A_178 : i32 to vector<1x128xi32>
    %eq3A_180 = arith.cmpi eq, %and3A_177, %eq3A_179 : vector<1x128xi32>
    %broadcast_in_dim3A_181 = vector.shape_cast %eq3A_180 : vector<1x128xi1> to vector<1x128xi1>
    %broadcast_in_dim3A_182 = vector.broadcast %broadcast_in_dim3A_181 : vector<1x128xi1> to vector<1250x128xi1>
    %select_n3A_183 = arith.select %broadcast_in_dim3A_182, %concatenate3A_172, %concatenate3A_174 : vector<1250x128xi1>, vector<1250x128xf32>
    %and3A_184 = arith.constant 8 : i32
    %and3A_185 = vector.broadcast %and3A_184 : i32 to vector<1x128xi32>
    %and3A_186 = arith.andi %and3A_28, %and3A_185 : vector<1x128xi32>
    %eq3A_187 = arith.constant 0 : i32
    %eq3A_188 = vector.broadcast %eq3A_187 : i32 to vector<1x128xi32>
    %eq3A_189 = arith.cmpi eq, %and3A_186, %eq3A_188 : vector<1x128xi32>
    %eq3A_190 = arith.xori %eq3A_180, %eq3A_189 : vector<1x128xi1>
    %eq3A_191 = arith.constant dense<true> : vector<1x128xi1>
    %eq3A_192 = arith.xori %eq3A_190, %eq3A_191 : vector<1x128xi1>
    %min3A_193 = arith.minimumf %select_n3A_168, %select_n3A_183 : vector<1250x128xf32>
    %max3A_194 = arith.maximumf %select_n3A_168, %select_n3A_183 : vector<1250x128xf32>
    %broadcast_in_dim3A_195 = vector.shape_cast %eq3A_192 : vector<1x128xi1> to vector<1x128xi1>
    %broadcast_in_dim3A_196 = vector.broadcast %broadcast_in_dim3A_195 : vector<1x128xi1> to vector<1250x128xi1>
    %select_n3A_197 = arith.select %broadcast_in_dim3A_196, %min3A_193, %max3A_194 : vector<1250x128xi1>, vector<1250x128xf32>
    %broadcast_in_dim3A_198 = arith.constant 0.000000e+00 : f32
    %broadcast_in_dim3A_199 = vector.broadcast %broadcast_in_dim3A_198 : f32 to vector<1250x8xf32>
    %slice3A_200 = vector.extract_strided_slice %select_n3A_197 {offsets = [0, 8], sizes = [1250, 120], strides = [1, 1]} : vector<1250x128xf32> to vector<1250x120xf32>
    %concatenate3A_201 = tpu.concatenate %slice3A_200, %broadcast_in_dim3A_199 in 1 : vector<1250x120xf32>, vector<1250x8xf32> -> vector<1250x128xf32>
    %slice3A_202 = vector.extract_strided_slice %select_n3A_197 {offsets = [0, 0], sizes = [1250, 120], strides = [1, 1]} : vector<1250x128xf32> to vector<1250x120xf32>
    %concatenate3A_203 = tpu.concatenate %broadcast_in_dim3A_199, %slice3A_202 in 1 : vector<1250x8xf32>, vector<1250x120xf32> -> vector<1250x128xf32>
    %and3A_204 = arith.constant 8 : i32
    %and3A_205 = vector.broadcast %and3A_204 : i32 to vector<1x128xi32>
    %and3A_206 = arith.andi %and3A_28, %and3A_205 : vector<1x128xi32>
    %eq3A_207 = arith.constant 0 : i32
    %eq3A_208 = vector.broadcast %eq3A_207 : i32 to vector<1x128xi32>
    %eq3A_209 = arith.cmpi eq, %and3A_206, %eq3A_208 : vector<1x128xi32>
    %broadcast_in_dim3A_210 = vector.shape_cast %eq3A_209 : vector<1x128xi1> to vector<1x128xi1>
    %broadcast_in_dim3A_211 = vector.broadcast %broadcast_in_dim3A_210 : vector<1x128xi1> to vector<1250x128xi1>
    %select_n3A_212 = arith.select %broadcast_in_dim3A_211, %concatenate3A_201, %concatenate3A_203 : vector<1250x128xi1>, vector<1250x128xf32>
    %and3A_213 = arith.constant 16 : i32
    %and3A_214 = vector.broadcast %and3A_213 : i32 to vector<1x128xi32>
    %and3A_215 = arith.andi %and3A_28, %and3A_214 : vector<1x128xi32>
    %eq3A_216 = arith.constant 0 : i32
    %eq3A_217 = vector.broadcast %eq3A_216 : i32 to vector<1x128xi32>
    %eq3A_218 = arith.cmpi eq, %and3A_215, %eq3A_217 : vector<1x128xi32>
    %eq3A_219 = arith.xori %eq3A_209, %eq3A_218 : vector<1x128xi1>
    %eq3A_220 = arith.constant dense<true> : vector<1x128xi1>
    %eq3A_221 = arith.xori %eq3A_219, %eq3A_220 : vector<1x128xi1>
    %min3A_222 = arith.minimumf %select_n3A_197, %select_n3A_212 : vector<1250x128xf32>
    %max3A_223 = arith.maximumf %select_n3A_197, %select_n3A_212 : vector<1250x128xf32>
    %broadcast_in_dim3A_224 = vector.shape_cast %eq3A_221 : vector<1x128xi1> to vector<1x128xi1>
    %broadcast_in_dim3A_225 = vector.broadcast %broadcast_in_dim3A_224 : vector<1x128xi1> to vector<1250x128xi1>
    %select_n3A_226 = arith.select %broadcast_in_dim3A_225, %min3A_222, %max3A_223 : vector<1250x128xi1>, vector<1250x128xf32>
    %broadcast_in_dim3A_227 = arith.constant 0.000000e+00 : f32
    %broadcast_in_dim3A_228 = vector.broadcast %broadcast_in_dim3A_227 : f32 to vector<1250x4xf32>
    %slice3A_229 = vector.extract_strided_slice %select_n3A_226 {offsets = [0, 4], sizes = [1250, 124], strides = [1, 1]} : vector<1250x128xf32> to vector<1250x124xf32>
    %concatenate3A_230 = tpu.concatenate %slice3A_229, %broadcast_in_dim3A_228 in 1 : vector<1250x124xf32>, vector<1250x4xf32> -> vector<1250x128xf32>
    %slice3A_231 = vector.extract_strided_slice %select_n3A_226 {offsets = [0, 0], sizes = [1250, 124], strides = [1, 1]} : vector<1250x128xf32> to vector<1250x124xf32>
    %concatenate3A_232 = tpu.concatenate %broadcast_in_dim3A_228, %slice3A_231 in 1 : vector<1250x4xf32>, vector<1250x124xf32> -> vector<1250x128xf32>
    %and3A_233 = arith.constant 4 : i32
    %and3A_234 = vector.broadcast %and3A_233 : i32 to vector<1x128xi32>
    %and3A_235 = arith.andi %and3A_28, %and3A_234 : vector<1x128xi32>
    %eq3A_236 = arith.constant 0 : i32
    %eq3A_237 = vector.broadcast %eq3A_236 : i32 to vector<1x128xi32>
    %eq3A_238 = arith.cmpi eq, %and3A_235, %eq3A_237 : vector<1x128xi32>
    %broadcast_in_dim3A_239 = vector.shape_cast %eq3A_238 : vector<1x128xi1> to vector<1x128xi1>
    %broadcast_in_dim3A_240 = vector.broadcast %broadcast_in_dim3A_239 : vector<1x128xi1> to vector<1250x128xi1>
    %select_n3A_241 = arith.select %broadcast_in_dim3A_240, %concatenate3A_230, %concatenate3A_232 : vector<1250x128xi1>, vector<1250x128xf32>
    %and3A_242 = arith.constant 16 : i32
    %and3A_243 = vector.broadcast %and3A_242 : i32 to vector<1x128xi32>
    %and3A_244 = arith.andi %and3A_28, %and3A_243 : vector<1x128xi32>
    %eq3A_245 = arith.constant 0 : i32
    %eq3A_246 = vector.broadcast %eq3A_245 : i32 to vector<1x128xi32>
    %eq3A_247 = arith.cmpi eq, %and3A_244, %eq3A_246 : vector<1x128xi32>
    %eq3A_248 = arith.xori %eq3A_238, %eq3A_247 : vector<1x128xi1>
    %eq3A_249 = arith.constant dense<true> : vector<1x128xi1>
    %eq3A_250 = arith.xori %eq3A_248, %eq3A_249 : vector<1x128xi1>
    %min3A_251 = arith.minimumf %select_n3A_226, %select_n3A_241 : vector<1250x128xf32>
    %max3A_252 = arith.maximumf %select_n3A_226, %select_n3A_241 : vector<1250x128xf32>
    %broadcast_in_dim3A_253 = vector.shape_cast %eq3A_250 : vector<1x128xi1> to vector<1x128xi1>
    %broadcast_in_dim3A_254 = vector.broadcast %broadcast_in_dim3A_253 : vector<1x128xi1> to vector<1250x128xi1>
    %select_n3A_255 = arith.select %broadcast_in_dim3A_254, %min3A_251, %max3A_252 : vector<1250x128xi1>, vector<1250x128xf32>
    %broadcast_in_dim3A_256 = arith.constant 0.000000e+00 : f32
    %broadcast_in_dim3A_257 = vector.broadcast %broadcast_in_dim3A_256 : f32 to vector<1250x2xf32>
    %slice3A_258 = vector.extract_strided_slice %select_n3A_255 {offsets = [0, 2], sizes = [1250, 126], strides = [1, 1]} : vector<1250x128xf32> to vector<1250x126xf32>
    %concatenate3A_259 = tpu.concatenate %slice3A_258, %broadcast_in_dim3A_257 in 1 : vector<1250x126xf32>, vector<1250x2xf32> -> vector<1250x128xf32>
    %slice3A_260 = vector.extract_strided_slice %select_n3A_255 {offsets = [0, 0], sizes = [1250, 126], strides = [1, 1]} : vector<1250x128xf32> to vector<1250x126xf32>
    %concatenate3A_261 = tpu.concatenate %broadcast_in_dim3A_257, %slice3A_260 in 1 : vector<1250x2xf32>, vector<1250x126xf32> -> vector<1250x128xf32>
    %and3A_262 = arith.constant 2 : i32
    %and3A_263 = vector.broadcast %and3A_262 : i32 to vector<1x128xi32>
    %and3A_264 = arith.andi %and3A_28, %and3A_263 : vector<1x128xi32>
    %eq3A_265 = arith.constant 0 : i32
    %eq3A_266 = vector.broadcast %eq3A_265 : i32 to vector<1x128xi32>
    %eq3A_267 = arith.cmpi eq, %and3A_264, %eq3A_266 : vector<1x128xi32>
    %broadcast_in_dim3A_268 = vector.shape_cast %eq3A_267 : vector<1x128xi1> to vector<1x128xi1>
    %broadcast_in_dim3A_269 = vector.broadcast %broadcast_in_dim3A_268 : vector<1x128xi1> to vector<1250x128xi1>
    %select_n3A_270 = arith.select %broadcast_in_dim3A_269, %concatenate3A_259, %concatenate3A_261 : vector<1250x128xi1>, vector<1250x128xf32>
    %and3A_271 = arith.constant 16 : i32
    %and3A_272 = vector.broadcast %and3A_271 : i32 to vector<1x128xi32>
    %and3A_273 = arith.andi %and3A_28, %and3A_272 : vector<1x128xi32>
    %eq3A_274 = arith.constant 0 : i32
    %eq3A_275 = vector.broadcast %eq3A_274 : i32 to vector<1x128xi32>
    %eq3A_276 = arith.cmpi eq, %and3A_273, %eq3A_275 : vector<1x128xi32>
    %eq3A_277 = arith.xori %eq3A_267, %eq3A_276 : vector<1x128xi1>
    %eq3A_278 = arith.constant dense<true> : vector<1x128xi1>
    %eq3A_279 = arith.xori %eq3A_277, %eq3A_278 : vector<1x128xi1>
    %min3A_280 = arith.minimumf %select_n3A_255, %select_n3A_270 : vector<1250x128xf32>
    %max3A_281 = arith.maximumf %select_n3A_255, %select_n3A_270 : vector<1250x128xf32>
    %broadcast_in_dim3A_282 = vector.shape_cast %eq3A_279 : vector<1x128xi1> to vector<1x128xi1>
    %broadcast_in_dim3A_283 = vector.broadcast %broadcast_in_dim3A_282 : vector<1x128xi1> to vector<1250x128xi1>
    %select_n3A_284 = arith.select %broadcast_in_dim3A_283, %min3A_280, %max3A_281 : vector<1250x128xi1>, vector<1250x128xf32>
    %broadcast_in_dim3A_285 = arith.constant 0.000000e+00 : f32
    %broadcast_in_dim3A_286 = vector.broadcast %broadcast_in_dim3A_285 : f32 to vector<1250x1xf32>
    %slice3A_287 = vector.extract_strided_slice %select_n3A_284 {offsets = [0, 1], sizes = [1250, 127], strides = [1, 1]} : vector<1250x128xf32> to vector<1250x127xf32>
    %concatenate3A_288 = tpu.concatenate %slice3A_287, %broadcast_in_dim3A_286 in 1 : vector<1250x127xf32>, vector<1250x1xf32> -> vector<1250x128xf32>
    %slice3A_289 = vector.extract_strided_slice %select_n3A_284 {offsets = [0, 0], sizes = [1250, 127], strides = [1, 1]} : vector<1250x128xf32> to vector<1250x127xf32>
    %concatenate3A_290 = tpu.concatenate %broadcast_in_dim3A_286, %slice3A_289 in 1 : vector<1250x1xf32>, vector<1250x127xf32> -> vector<1250x128xf32>
    %and3A_291 = arith.constant 1 : i32
    %and3A_292 = vector.broadcast %and3A_291 : i32 to vector<1x128xi32>
    %and3A_293 = arith.andi %and3A_28, %and3A_292 : vector<1x128xi32>
    %eq3A_294 = arith.constant 0 : i32
    %eq3A_295 = vector.broadcast %eq3A_294 : i32 to vector<1x128xi32>
    %eq3A_296 = arith.cmpi eq, %and3A_293, %eq3A_295 : vector<1x128xi32>
    %broadcast_in_dim3A_297 = vector.shape_cast %eq3A_296 : vector<1x128xi1> to vector<1x128xi1>
    %broadcast_in_dim3A_298 = vector.broadcast %broadcast_in_dim3A_297 : vector<1x128xi1> to vector<1250x128xi1>
    %select_n3A_299 = arith.select %broadcast_in_dim3A_298, %concatenate3A_288, %concatenate3A_290 : vector<1250x128xi1>, vector<1250x128xf32>
    %and3A_300 = arith.constant 16 : i32
    %and3A_301 = vector.broadcast %and3A_300 : i32 to vector<1x128xi32>
    %and3A_302 = arith.andi %and3A_28, %and3A_301 : vector<1x128xi32>
    %eq3A_303 = arith.constant 0 : i32
    %eq3A_304 = vector.broadcast %eq3A_303 : i32 to vector<1x128xi32>
    %eq3A_305 = arith.cmpi eq, %and3A_302, %eq3A_304 : vector<1x128xi32>
    %eq3A_306 = arith.xori %eq3A_296, %eq3A_305 : vector<1x128xi1>
    %eq3A_307 = arith.constant dense<true> : vector<1x128xi1>
    %eq3A_308 = arith.xori %eq3A_306, %eq3A_307 : vector<1x128xi1>
    %min3A_309 = arith.minimumf %select_n3A_284, %select_n3A_299 : vector<1250x128xf32>
    %max3A_310 = arith.maximumf %select_n3A_284, %select_n3A_299 : vector<1250x128xf32>
    %broadcast_in_dim3A_311 = vector.shape_cast %eq3A_308 : vector<1x128xi1> to vector<1x128xi1>
    %broadcast_in_dim3A_312 = vector.broadcast %broadcast_in_dim3A_311 : vector<1x128xi1> to vector<1250x128xi1>
    %select_n3A_313 = arith.select %broadcast_in_dim3A_312, %min3A_309, %max3A_310 : vector<1250x128xi1>, vector<1250x128xf32>
    %slice3A_314 = vector.extract_strided_slice %select_n3A_313 {offsets = [0, 0], sizes = [1250, 16], strides = [1, 1]} : vector<1250x128xf32> to vector<1250x16xf32>
    %broadcast_in_dim3A_315 = vector.shape_cast %slice3A_314 : vector<1250x16xf32> to vector<1250x1x16xf32>
    %slice3A_316 = vector.extract_strided_slice %select_n3A_313 {offsets = [0, 16], sizes = [1250, 16], strides = [1, 1]} : vector<1250x128xf32> to vector<1250x16xf32>
    %broadcast_in_dim3A_317 = vector.shape_cast %slice3A_316 : vector<1250x16xf32> to vector<1250x1x16xf32>
    %slice3A_318 = vector.extract_strided_slice %select_n3A_313 {offsets = [0, 32], sizes = [1250, 16], strides = [1, 1]} : vector<1250x128xf32> to vector<1250x16xf32>
    %broadcast_in_dim3A_319 = vector.shape_cast %slice3A_318 : vector<1250x16xf32> to vector<1250x1x16xf32>
    %slice3A_320 = vector.extract_strided_slice %select_n3A_313 {offsets = [0, 48], sizes = [1250, 16], strides = [1, 1]} : vector<1250x128xf32> to vector<1250x16xf32>
    %broadcast_in_dim3A_321 = vector.shape_cast %slice3A_320 : vector<1250x16xf32> to vector<1250x1x16xf32>
    %slice3A_322 = vector.extract_strided_slice %select_n3A_313 {offsets = [0, 64], sizes = [1250, 16], strides = [1, 1]} : vector<1250x128xf32> to vector<1250x16xf32>
    %broadcast_in_dim3A_323 = vector.shape_cast %slice3A_322 : vector<1250x16xf32> to vector<1250x1x16xf32>
    %slice3A_324 = vector.extract_strided_slice %select_n3A_313 {offsets = [0, 80], sizes = [1250, 16], strides = [1, 1]} : vector<1250x128xf32> to vector<1250x16xf32>
    %broadcast_in_dim3A_325 = vector.shape_cast %slice3A_324 : vector<1250x16xf32> to vector<1250x1x16xf32>
    %slice3A_326 = vector.extract_strided_slice %select_n3A_313 {offsets = [0, 96], sizes = [1250, 16], strides = [1, 1]} : vector<1250x128xf32> to vector<1250x16xf32>
    %broadcast_in_dim3A_327 = vector.shape_cast %slice3A_326 : vector<1250x16xf32> to vector<1250x1x16xf32>
    %slice3A_328 = vector.extract_strided_slice %select_n3A_313 {offsets = [0, 112], sizes = [1250, 16], strides = [1, 1]} : vector<1250x128xf32> to vector<1250x16xf32>
    %broadcast_in_dim3A_329 = vector.shape_cast %slice3A_328 : vector<1250x16xf32> to vector<1250x1x16xf32>
    %concatenate3A_330 = tpu.concatenate %broadcast_in_dim3A_315, %broadcast_in_dim3A_317, %broadcast_in_dim3A_319, %broadcast_in_dim3A_321, %broadcast_in_dim3A_323, %broadcast_in_dim3A_325, %broadcast_in_dim3A_327, %broadcast_in_dim3A_329 in 1 : vector<1250x1x16xf32>, vector<1250x1x16xf32>, vector<1250x1x16xf32>, vector<1250x1x16xf32>, vector<1250x1x16xf32>, vector<1250x1x16xf32>, vector<1250x1x16xf32>, vector<1250x1x16xf32> -> vector<1250x8x16xf32>
    %reshape3A = vector.shape_cast %concatenate3A_330 : vector<1250x8x16xf32> to vector<10000x16xf32>
    %get3A_331 = arith.constant 0 : index
    %get3A_332 = arith.constant 0 : index
    %get3A_333 = vector.load %arg4[%get3A_331, %get3A_332] : memref<16x128xf32, #tpu.memory_space<vmem>>, vector<16x128xf32>
    %dot_general3A = arith.constant dense<0.000000e+00> : vector<10000x128xf32>
    %dot_general3A_334 = tpu.matmul %reshape3A, %get3A_333, %dot_general3A {dimension_numbers = #tpu.dot_dimension_numbers<[1], [0], [0], [1], [0, 0, 1, 1], [], []>, transpose_lhs_hint = false} : vector<10000x16xf32>, vector<16x128xf32>, vector<10000x128xf32> -> vector<10000x128xf32>
    %get3A_335 = arith.constant 0 : index
    %get3A_336 = arith.constant 0 : index
    %get3A_337 = vector.load %arg5[%get3A_335, %get3A_336] : memref<1x128xf32, #tpu.memory_space<vmem>>, vector<1x128xf32>
    %add3A_338 = vector.broadcast %get3A_337 : vector<1x128xf32> to vector<10000x128xf32>
    %add3A_339 = arith.addf %dot_general3A_334, %add3A_338 : vector<10000x128xf32>
    %max3A_340 = arith.constant 0.000000e+00 : f32
    %max3A_341 = vector.broadcast %max3A_340 : f32 to vector<10000x128xf32>
    %max3A_342 = arith.maximumf %add3A_339, %max3A_341 : vector<10000x128xf32>
    %get3A_343 = arith.constant 0 : index
    %get3A_344 = arith.constant 0 : index
    %get3A_345 = vector.load %arg6[%get3A_343, %get3A_344] : memref<128x256xf32, #tpu.memory_space<vmem>>, vector<128x256xf32>
    %dot_general3A_346 = arith.constant dense<0.000000e+00> : vector<10000x256xf32>
    %dot_general3A_347 = tpu.matmul %max3A_342, %get3A_345, %dot_general3A_346 {dimension_numbers = #tpu.dot_dimension_numbers<[1], [0], [0], [1], [0, 0, 1, 1], [], []>, transpose_lhs_hint = false} : vector<10000x128xf32>, vector<128x256xf32>, vector<10000x256xf32> -> vector<10000x256xf32>
    %get3A_348 = arith.constant 0 : index
    %get3A_349 = arith.constant 0 : index
    %get3A_350 = vector.load %arg7[%get3A_348, %get3A_349] : memref<1x256xf32, #tpu.memory_space<vmem>>, vector<1x256xf32>
    %add3A_351 = vector.broadcast %get3A_350 : vector<1x256xf32> to vector<10000x256xf32>
    %add3A_352 = arith.addf %dot_general3A_347, %add3A_351 : vector<10000x256xf32>
    %max3A_353 = arith.constant 0.000000e+00 : f32
    %max3A_354 = vector.broadcast %max3A_353 : f32 to vector<10000x256xf32>
    %max3A_355 = arith.maximumf %add3A_352, %max3A_354 : vector<10000x256xf32>
    %get3A_356 = arith.constant 0 : index
    %get3A_357 = arith.constant 0 : index
    %get3A_358 = vector.load %arg8[%get3A_356, %get3A_357] : memref<256x8xf32, #tpu.memory_space<vmem>>, vector<256x8xf32>
    %dot_general3A_359 = arith.constant dense<0.000000e+00> : vector<10000x8xf32>
    %dot_general3A_360 = tpu.matmul %max3A_355, %get3A_358, %dot_general3A_359 {dimension_numbers = #tpu.dot_dimension_numbers<[1], [0], [0], [1], [0, 0, 1, 1], [], []>, transpose_lhs_hint = false} : vector<10000x256xf32>, vector<256x8xf32>, vector<10000x8xf32> -> vector<10000x8xf32>
    %get3A_361 = arith.constant 0 : index
    %get3A_362 = arith.constant 0 : index
    %get3A_363 = vector.load %arg9[%get3A_361, %get3A_362] : memref<1x8xf32, #tpu.memory_space<vmem>>, vector<1x8xf32>
    %add3A_364 = vector.broadcast %get3A_363 : vector<1x8xf32> to vector<10000x8xf32>
    %add3A_365 = arith.addf %dot_general3A_360, %add3A_364 : vector<10000x8xf32>
    %get3A_366 = arith.constant 0 : index
    %get3A_367 = arith.constant 0 : index
    %get3A_368 = vector.load %arg10[%get3A_366, %get3A_367] : memref<128x128xf32, #tpu.memory_space<vmem>>, vector<128x128xf32>
    %dot_general3A_369 = arith.constant dense<0.000000e+00> : vector<10000x128xf32>
    %dot_general3A_370 = tpu.matmul %concatenate3A, %get3A_368, %dot_general3A_369 {dimension_numbers = #tpu.dot_dimension_numbers<[1], [0], [0], [1], [0, 0, 1, 1], [], []>, transpose_lhs_hint = false} : vector<10000x128xf32>, vector<128x128xf32>, vector<10000x128xf32> -> vector<10000x128xf32>
    %get3A_371 = arith.constant 0 : index
    %get3A_372 = arith.constant 0 : index
    %get3A_373 = vector.load %arg11[%get3A_371, %get3A_372] : memref<8x128xf32, #tpu.memory_space<vmem>>, vector<8x128xf32>
    %dot_general3A_374 = arith.constant dense<0.000000e+00> : vector<10000x128xf32>
    %dot_general3A_375 = tpu.matmul %add3A_365, %get3A_373, %dot_general3A_374 {dimension_numbers = #tpu.dot_dimension_numbers<[1], [0], [0], [1], [0, 0, 1, 1], [], []>, transpose_lhs_hint = false} : vector<10000x8xf32>, vector<8x128xf32>, vector<10000x128xf32> -> vector<10000x128xf32>
    %add3A_376 = arith.addf %dot_general3A_370, %dot_general3A_375 : vector<10000x128xf32>
    %get3A_377 = arith.constant 0 : index
    %get3A_378 = arith.constant 0 : index
    %get3A_379 = vector.load %arg12[%get3A_377, %get3A_378] : memref<1x128xf32, #tpu.memory_space<vmem>>, vector<1x128xf32>
    %add3A_380 = vector.broadcast %get3A_379 : vector<1x128xf32> to vector<10000x128xf32>
    %add3A_381 = arith.addf %add3A_376, %add3A_380 : vector<10000x128xf32>
    %reduce_sum3A = arith.constant dense<0.000000e+00> : vector<128xf32>
    %reduce_sum3A_382 = vector.multi_reduction <add>, %add3A_381, %reduce_sum3A [0] : vector<10000x128xf32> to vector<128xf32>
    %broadcast_in_dim3A_383 = vector.shape_cast %reduce_sum3A_382 : vector<128xf32> to vector<1x128xf32>
    %div3A = arith.constant 1.000000e+04 : f32
    %div3A_384 = vector.broadcast %div3A : f32 to vector<1x128xf32>
    %div3A_385 = arith.divf %broadcast_in_dim3A_383, %div3A_384 : vector<1x128xf32>
    %mul3A = arith.mulf %add3A_381, %add3A_381 : vector<10000x128xf32>
    %reduce_sum3A_386 = arith.constant dense<0.000000e+00> : vector<128xf32>
    %reduce_sum3A_387 = vector.multi_reduction <add>, %mul3A, %reduce_sum3A_386 [0] : vector<10000x128xf32> to vector<128xf32>
    %broadcast_in_dim3A_388 = vector.shape_cast %reduce_sum3A_387 : vector<128xf32> to vector<1x128xf32>
    %div3A_389 = arith.constant 1.000000e+04 : f32
    %div3A_390 = vector.broadcast %div3A_389 : f32 to vector<1x128xf32>
    %div3A_391 = arith.divf %broadcast_in_dim3A_388, %div3A_390 : vector<1x128xf32>
    %mul3A_392 = arith.mulf %div3A_385, %div3A_385 : vector<1x128xf32>
    %sub3A = arith.subf %div3A_391, %mul3A_392 : vector<1x128xf32>
    %add3A_393 = arith.constant 9.99999974E-6 : f32
    %add3A_394 = vector.broadcast %add3A_393 : f32 to vector<1x128xf32>
    %add3A_395 = arith.addf %sub3A, %add3A_394 : vector<1x128xf32>
    %rsqrt3A = math.rsqrt %add3A_395 : vector<1x128xf32>
    %sub3A_396 = vector.broadcast %div3A_385 : vector<1x128xf32> to vector<10000x128xf32>
    %sub3A_397 = arith.subf %add3A_381, %sub3A_396 : vector<10000x128xf32>
    %mul3A_398 = vector.broadcast %rsqrt3A : vector<1x128xf32> to vector<10000x128xf32>
    %mul3A_399 = arith.mulf %sub3A_397, %mul3A_398 : vector<10000x128xf32>
    %get3A_400 = arith.constant 0 : index
    %get3A_401 = arith.constant 0 : index
    %get3A_402 = vector.load %arg13[%get3A_400, %get3A_401] : memref<1x128xf32, #tpu.memory_space<vmem>>, vector<1x128xf32>
    %mul3A_403 = vector.broadcast %get3A_402 : vector<1x128xf32> to vector<10000x128xf32>
    %mul3A_404 = arith.mulf %mul3A_399, %mul3A_403 : vector<10000x128xf32>
    %get3A_405 = arith.constant 0 : index
    %get3A_406 = arith.constant 0 : index
    %get3A_407 = vector.load %arg14[%get3A_405, %get3A_406] : memref<1x128xf32, #tpu.memory_space<vmem>>, vector<1x128xf32>
    %add3A_408 = vector.broadcast %get3A_407 : vector<1x128xf32> to vector<10000x128xf32>
    %add3A_409 = arith.addf %mul3A_404, %add3A_408 : vector<10000x128xf32>
    %max3A_410 = arith.constant 0.000000e+00 : f32
    %max3A_411 = vector.broadcast %max3A_410 : f32 to vector<10000x128xf32>
    %max3A_412 = arith.maximumf %add3A_409, %max3A_411 : vector<10000x128xf32>
    %get3A_413 = arith.constant 0 : index
    %get3A_414 = arith.constant 0 : index
    %get3A_415 = vector.load %arg15[%get3A_413, %get3A_414] : memref<128x128xf32, #tpu.memory_space<vmem>>, vector<128x128xf32>
    %dot_general3A_416 = arith.constant dense<0.000000e+00> : vector<10000x128xf32>
    %dot_general3A_417 = tpu.matmul %max3A_412, %get3A_415, %dot_general3A_416 {dimension_numbers = #tpu.dot_dimension_numbers<[1], [0], [0], [1], [0, 0, 1, 1], [], []>, transpose_lhs_hint = false} : vector<10000x128xf32>, vector<128x128xf32>, vector<10000x128xf32> -> vector<10000x128xf32>
    %get3A_418 = arith.constant 0 : index
    %get3A_419 = arith.constant 0 : index
    %get3A_420 = vector.load %arg16[%get3A_418, %get3A_419] : memref<1x128xf32, #tpu.memory_space<vmem>>, vector<1x128xf32>
    %add3A_421 = vector.broadcast %get3A_420 : vector<1x128xf32> to vector<10000x128xf32>
    %add3A_422 = arith.addf %dot_general3A_417, %add3A_421 : vector<10000x128xf32>
    %swap3A_423 = arith.constant 0 : index
    %swap3A_424 = arith.constant 0 : index
    %swap3A_425 = vector.load %arg17[%swap3A_423, %swap3A_424] : memref<10000x128xf32, #tpu.memory_space<vmem>>, vector<10000x128xf32>
    tpu.vector_store %arg17[%swap3A_423, %swap3A_424], %add3A_422 {strides = array<i32>} : memref<10000x128xf32, #tpu.memory_space<vmem>>, vector<10000x128xf32>,
    return
  }
}

</mosaic_0001>

<sc_bundles>
// kernel: kernel.4.cloned.1.call-start
scs
__scs_entry_jumppad:
0x0: {  	(pc) =	sbr.rel $0x88, $3  }
0x1: {  	(tag) =	ssettag $0x0;
	lr =	simm.s32 $0x1  }
0x2: {  	[smem:$0x3F92] =	sst lr;
	_ =	strace $0xD0000000  }
0x3: {  	_ = 	snop  }
0x4: {  	_ = 	snop  }
0x5: {  	_ = 	snop  }
0x6: {  	_ = 	snop  }
0x7: {  	_ = 	snop  }
__scs_overlays_trampoline_lowered:
0x8: {  	[smem:$0x3FA1] =	sst s0  }
0x9: {  	[smem:$0x3FA2] =	sst s1  }
0xa: {  	[smem:$0x3FA3] =	sst s2  }
0xb: {  	[smem:$0x3FA4] =	sst s3  }
0xc: {  	[smem:$0x3FA5] =	sst s4  }
0xd: {  	[smem:$0x3FA6] =	sst s5  }
0xe: {  	[smem:$0x3FA7] =	sst s6  }
0xf: {  	[smem:$0x3FA8] =	sst s7  }
0x10: {  	[smem:$0x3FA9] =	sst s8  }
0x11: {  	[smem:$0x3FAA] =	sst s9;
	s0 =	simm.s32 @!p0 $0x0  }
0x12: {  	s1 =	sld [smem:$0x3F90];
	s0 =	simm.s32 @p0 $0x1  }
0x13: {  	[smem:$0x3FAB] =	sst s0;
	s0 =	simm.s32 @!p1 $0x0  }
0x14: {  	s2 =	sld [smem:$0x3F8F];
	s0 =	simm.s32 @p1 $0x1  }
0x15: {  	[smem:$0x3FAC] =	sst s0;
	s0 =	simm.s32 @!p2 $0x0  }
0x16: {  	s3 =	sld [smem:$0x3FDB];
	s0 =	simm.s32 @p2 $0x1  }
0x17: {  	s4 =	simm.s32 $0x1BF5;
	[smem:$0x3FAE] =	sst s0  }
0x18: {  	s0 =	sld [smem:$0x3F91];
	_ =	swait.ge [sflag:s4], $0x0  }
0x19: {  	s7 =	sld [smem:$0x3F92]  }
0x1a: {  	s8 =	sadd.s32 $0xFFFFE003, lr  }
0x1b: {  	s9 =	sadd.s32 $0xFFFFFEF7, lr;
	s5 =	simm.s32 $0xFFFFFFFF;
	p2 =	slt.u32 s8, $0xFFFFF086  }
0x1c: {  	p1 =	slt.u32 s9, $0xF7A;
	s5 =	simm.s32 @!p2 $0x0  }
0x1d: {  	s5 =	simm.s32 @p1 $0x1;
	p0 =	seq.s32 s7, s2  }
0x1e: {  	s7 =	smul.u32 @!p0 $0xF7A, s2;
	p2 =	seq.s32 @!p0 s5, $0x0  }
0x1f: {  	s9 =	smul.u32 $0xF7A, s1;
	s8 =	simm.s32 @!p0 $0x1BF5;
	p2 =	por !p2, p0  }
0x20: {  	[sflag:s8] =	ssyncset.s32 @!p0 $0xFFFFF086;
	s6 =	sadd.s32 @!p0 s3, s7;
	s7 =	simm.s32 @!p0 $0x108  }
0x21: {  	s3 =	sadd.s32 s3, s9;
	s6 =	sadd.s32 @!p0 $0x88, s6;
	s7 =	simm.s32 @p2 $0x1082  }
0x22: {  	[simem:s7], [sflag:s8] =	dma.local @!p0 [hbm:s6], $0xF7A  }
0x23: {  	s9 =	sor.u32 $0xD0000000, s2;
	s6 =	simm.s32 $0x108;
	_ =	swait.ge @!p0 [sflag:s8], $0x0  }
0x24: {  	s3 =	sadd.s32 $0x88, s3;
	s6 =	simm.s32 @!p1 $0x1082;
	[sflag:s4] =	ssyncset.s32 $0xFFFFF086  }
0x25: {  	[simem:s6], [sflag:s4] =	dma.local [hbm:s3], $0xF7A  }
0x26: {  	[smem:$0x3F92] =	sst s1;
	(tag) =	ssettag s2;
	_ =	strace s9  }
0x27: {  	s1 =	sld [smem:$0x3FA2]  }
0x28: {  	s2 =	sld [smem:$0x3FA3]  }
0x29: {  	s4 =	sld [smem:$0x3FA5]  }
0x2a: {  	p0 =	seq.s32 s5, $0x0;
	s5 =	sld [smem:$0x3FA6]  }
0x2b: {  	s6 =	sld [smem:$0x3FA7]  }
0x2c: {  	s7 =	sld [smem:$0x3FA8]  }
0x2d: {  	s3 =	simm.s32 $0x108;
	s8 =	sld [smem:$0x3FA9]  }
0x2e: {  	s3 =	simm.s32 @!p0 $0x1082;
	s9 =	sld [smem:$0x3FAA]  }
0x2f: {  	lr =	sadd.s32 s0, s3;
	s0 =	sld [smem:$0x3FA1]  }
0x30: {  	s3 =	sld [smem:$0x3FA4]  }
0x31: {  	[smem:$0x3FAD] =	sst s10  }
0x32: {  	s10 =	sld [smem:$0x3FAB];
	_ =	sdelay $0x3  }
0x33: {  	p0 =	seq.s32 s10, $0x1;
	s10 =	sld [smem:$0x3FAD];
	_ =	sdelay $0x3  }
0x34: {  	[smem:$0x3FAD] =	sst s10  }
0x35: {  	s10 =	sld [smem:$0x3FAC];
	_ =	sdelay $0x3  }
0x36: {  	p1 =	seq.s32 s10, $0x1;
	s10 =	sld [smem:$0x3FAD];
	_ =	sdelay $0x3  }
0x37: {  	[smem:$0x3FAD] =	sst s10  }
0x38: {  	s10 =	sld [smem:$0x3FAE]  }
0x39: {  	_ = 	snop;
	(pc) =	sbr.ind lr, $3  }
0x3a: {  	_ = 	snop  }
0x3b: {  	_ = 	snop  }
0x3c: {  	p2 =	seq.s32 s10, $0x1;
	s10 =	sld [smem:$0x3FAD]  }
0x3d: {  	_ =	shalt  }
0x3e: {  	_ =	shalt  }
0x3f: {  	_ =	shalt  }
0x40: {  	_ =	shalt  }
0x41: {  	_ =	shalt  }
0x42: {  	_ =	shalt  }
0x43: {  	_ =	shalt  }
0x44: {  	_ =	shalt  }
0x45: {  	_ =	shalt  }
0x46: {  	_ =	shalt  }
0x47: {  	_ =	shalt  }
0x48: {  	_ =	shalt  }
0x49: {  	_ =	shalt  }
0x4a: {  	_ =	shalt  }
0x4b: {  	_ =	shalt  }
0x4c: {  	_ =	shalt  }
0x4d: {  	_ =	shalt  }
0x4e: {  	_ =	shalt  }
0x4f: {  	_ =	shalt  }
0x50: {  	_ =	shalt  }
0x51: {  	_ =	shalt  }
0x52: {  	_ =	shalt  }
0x53: {  	_ =	shalt  }
0x54: {  	_ =	shalt  }
0x55: {  	_ =	shalt  }
0x56: {  	_ =	shalt  }
0x57: {  	_ =	shalt  }
0x58: {  	_ =	shalt  }
0x59: {  	_ =	shalt  }
0x5a: {  	_ =	shalt  }
0x5b: {  	_ =	shalt  }
0x5c: {  	_ =	shalt  }
0x5d: {  	_ =	shalt  }
0x5e: {  	_ =	shalt  }
0x5f: {  	_ =	shalt  }
0x60: {  	_ =	shalt  }
0x61: {  	_ =	shalt  }
0x62: {  	_ =	shalt  }
0x63: {  	_ =	shalt  }
0x64: {  	_ =	shalt  }
0x65: {  	_ =	shalt  }
0x66: {  	_ =	shalt  }
0x67: {  	_ =	shalt  }
0x68: {  	_ =	shalt  }
0x69: {  	_ =	shalt  }
0x6a: {  	_ =	shalt  }
0x6b: {  	_ =	shalt  }
0x6c: {  	_ =	shalt  }
0x6d: {  	_ =	shalt  }
0x6e: {  	_ =	shalt  }
0x6f: {  	_ =	shalt  }
0x70: {  	_ =	shalt  }
0x71: {  	_ =	shalt  }
0x72: {  	_ =	shalt  }
0x73: {  	_ =	shalt  }
0x74: {  	_ =	shalt  }
0x75: {  	_ =	shalt  }
0x76: {  	_ =	shalt  }
0x77: {  	_ =	shalt  }
0x78: {  	_ =	shalt  }
0x79: {  	_ =	shalt  }
0x7a: {  	_ =	shalt  }
0x7b: {  	_ =	shalt  }
0x7c: {  	_ =	shalt  }
0x7d: {  	_ =	shalt  }
0x7e: {  	_ =	shalt  }
0x7f: {  	_ =	shalt  }
0x80: {  	_ =	shalt  }
0x81: {  	_ =	shalt  }
0x82: {  	_ =	shalt  }
0x83: {  	_ =	shalt  }
0x84: {  	_ =	shalt  }
0x85: {  	_ =	shalt  }
0x86: {  	_ =	shalt  }
0x87: {  	_ =	shalt  }
.Lfunc_end0:
.L_simem_size_0:
called_computation_lowered:
.L_overlay_start_0:
0x88: {  	s2 =	sld [smem:$0x3FD9]  }
0x89: {  	s3 =	sld [smem:$0x3FFE];
	_ =	sdelay $0x1  }
0x8a: {  	s1 =	srdreg.scid  }
0x8b: {  	s0 =	sand.u32 $0x1, s1  }
0x8c: {  	s14 =	sshll.u32 s0, $0xA;
	s2 =	sadd.s32 s3, s2  }
0x8d: {  	s2 =	sadd.s32 s2, s14  }
0x8e: {  	[smem:$0x3FB9] =	sst s2  }
0x8f: {  	_ = 	snop  }
0x90: {  	s2 =	sld [smem:$0x3FD0];
	_ =	sdelay $0x2  }
0x91: {  	s15 =	simm.s32 $0xA;
	s4 =	simm.s32 $0x10  }
0x92: {  	[smem:s4], [sflag:s15] =	dma.local [hbm:s2], $0x1  }
0x93: {  	_ =	swait.eq [sflag:s15], $0x1  }
0x94: {  	[sflag:s15] =	ssyncset.done $0x0  }
0x95: {  	[sflag:s15] =	ssyncadd.s32 $0xFFFFFFFF  }
0x96: {  	s16 =	sld [smem:$0x10];
	(tm) =	ssettm $0x1  }
0x97: {  	s17 =	sld [smem:$0x3FFB];
	_ =	sdelay $0x3  }
0x98: {  	_ =	strace s17  }
0x99: {  	s3 =	sld [smem:$0x3FFC];
	_ =	sdelay $0x3  }
0x9a: {  	_ =	strace s3  }
0x9b: {  	s3 =	sld [smem:$0x3FFD];
	_ =	sdelay $0x3  }
0x9c: {  	_ =	strace s3  }
0x9d: {  	_ =	strace $0x8FFFFFFF  }
0x9e: {  	s18 =	sld [smem:$0x3FDB];
	_ =	sdelay $0x1  }
0x9f: {  	s19 =	simm.s32 $_scs_section_size  }
0xa0: {  	s5 =	simm.s32 $_size__tile_overlayer_lowered;
	s6 =	simm.s32 $_tile_overlayer_lowered  }
0xa1: {  	s22 =	simm.s32 $0x1BFF;
	s21 =	sshll.u32 s6, $0x1;
	s3 =	sadd.s32 s19, s18  }
0xa2: {  	s7 =	simm.s32 $0x0;
	s20 =	sshll.u32 s5, $0x1;
	s5 =	sadd.s32 s21, s3  }
0xa3: {  	[timem:s7], [sflag:s22] =	dma.local [hbm:s5], s20  }
0xa4: {  	_ =	swait.ge [sflag:s22], s20  }
0xa5: {  	s4 =	ssub.s32 $0x0, s20;
	[sflag:s22] =	ssyncset.done $0x0  }
0xa6: {  	[sflag:s22] =	ssyncadd.s32 s4;
	_ =	sdelay $0x1  }
0xa7: {  	s23 =	simm.s32 $0x1B8B  }
0xa8: {  	_ =	swait.ge [sflag:s23], $0x1  }
0xa9: {  	[sflag:s23] =	ssyncset.done $0x0  }
0xaa: {  	s25 =	simm.s32 $0x1B8E;
	s24 =	sld [smem:$0x3FFE];
	[sflag:s23] =	ssyncadd.s32 $0xFFFFFFFF  }
0xab: {  	s26 =	simm.s32 $execute0_lowered;
	[smem:$0x3FD2] =	sst s25  }
0xac: {  	s5 =	sshll.u32 s26, $0x1;
	_ =	strace $0x80000046;
	[dreg:$0x1] =	wrdreg $0xFFFFFFFF  }
0xad: {  	s28 =	simm.s32 $_size_execute0_lowered;
	s3 =	sadd.s32 s3, s5;
	[dreg:$0x0] =	wrdreg $0x0  }
0xae: {  	s5 =	sshll.u32 s28, $0x1;
	[dreg:$0x2] =	wrdreg s3  }
0xaf: {  	[dreg:$0x3] =	wrdreg s5  }
0xb0: {  	[dreg:$0x4] =	wrdreg $0xC0  }
0xb1: {  	_ =	task [dreg:s7], $0x5FFFF  }
0xb2: {  	[dreg:$0x1] =	wrdreg $0xFFFFFFFF  }
0xb3: {  	[dreg:$0x0] =	wrdreg $0x60  }
0xb4: {  	[dreg:$0x2] =	wrdreg s24  }
0xb5: {  	[dreg:$0x3] =	wrdreg s16  }
0xb6: {  	[dreg:$0x4] =	wrdreg $0x128400  }
0xb7: {  	[dreg:$0x5] =	wrdreg $0x9  }
0xb8: {  	_ =	task.clear_ibuf [dreg:s7], $0x6FFFF;
	_ =	strace $0x90000046  }
0xb9: {  	s29 =	simm.s32 $0x9;
	_ =	strace $0x80000048  }
0xba: {  	_ =	swait.ge [sflag:s29], $0x1  }
0xbb: {  	[sflag:s29] =	ssyncadd.s32 $0xFFFFFFFF  }
0xbc: {  	_ =	strace $0x90000048  }
0xbd: {  	_ =	sfence  }
0xbe: {  	s30 =	sld [smem:$0x0];
	_ =	sdelay $0x2  }
0xbf: {  	s31 =	sshll.u32 s1, $0xD;
	s1 =	sshrl.u32 s1, $0x2  }
0xc0: {  	s3 =	sand.u32 $0x4000, s31;
	s1 =	sadd.s32 s1, s30  }
0xc1: {  	s0 =	sor.u32 s3, s0;
	s1 =	sshll.u32 s1, $0x11  }
0xc2: {  	s0 =	sor.u32 s1, s0  }
0xc3: {  	s0 =	sadd.s32 $0x8F2B, s0  }
0xc4: {  	[sflag:s0] =	ssyncadd.remote.s32 $0x1  }
0xc5: {  	_ =	sfence.sel $0xFFFF  }
0xc6: {  	[dreg:$0x0] =	wrdreg $0xFFFFFFFF;
	(pc) =	sbr.abs _section_cstart, $3  }
0xc7: {  	[dreg:$0x1] =	wrdreg $0xFFFFFFFF  }
0xc8: {  	_ =	task.clear_ibuf [dreg:s7], $0x2FFFF;
	_ =	strace $0x9FFFFFFF  }
0xc9: {  	(tm) =	ssettm $0x7FFFFFFF  }
tec
execute0_lowered:
.L_overlay_start_1:
0x0: {  	(tag) =	ssettag $0x1  }
0x1: {  	s0 =	rddreg [dreg:$0x0]  }
0x2: {  	s1 =	rddreg [dreg:$0x1]  }
0x3: {  	s2 =	rddreg [dreg:$0x2]  }
0x4: {  	s3 =	simm.s32 $0x0;
	s22 =	stileid.u32;
	s4 =	srdreg.scid  }
0x5: {  	s16 =	simm.s32 $0x5;
	s18 =	simm.s32 $0x50;
	s19 =	simm.s32 $0x9C40  }
0x6: {  	s20 =	simm.s32 $0xB540;
	s21 =	simm.s32 $0xCE40;
	s23 =	simm.s32 $0x1  }
0x7: {  	s28 =	simm.s32 $0x2;
	s29 =	simm.s32 $0x4;
	s6 =	smul.u32 $0x9C4, s22  }
0x8: {  	[smem:$0x7FF] =	sst s3;
	s15 =	sand.u32 $0x1, s4;
	s9 =	smul.u32 $0xC800, s22  }
0x9: {  	s4 =	sadd.s32 $0x1E00, s0;
	s25 =	smul.u32 $0x32000, s22;
	p1 =	seq.s32 s22, $0xF  }
0xa: {  	s22 =	simm.s32 $0xE740;
	_ =	strace $0x80000047;
	s5 =	ssub.s32 $0x2, s15  }
0xb: {  	s7 =	smul.u32 $0xC3500, s15;
	p0 =	seq.s32 s15, $0x0;
	s15 =	simm.s32 $0x10040  }
0xc: {  	s8 =	sshrl.u32 s5, $0x1;
	s10 =	sadd.s32 s6, s0;
	s0 =	sadd.s32 $0x3CA00, s0  }
0xd: {  	s6 =	sadd.s32 s1, s6;
	s31 =	sshrl.u32 s25, $0x2;
	s17 =	sadd.s32 s9, s2  }
0xe: {  	s11 =	ssub.s32 s5, s8;
	s5 =	sadd.s32 $0x32C00, s10;
	s24 =	sadd.s32 s9, s7  }
0xf: {  	s30 =	sshrl.u32 s7, $0x3;
	s9 =	sadd.s32 s31, s2;
	s25 =	sshrl.u32 @!p1 s17, $0x3  }
0x10: {  	s26 =	sshrl.u32 s24, $0x3;
	s10 =	smax.u32 s11, $0x1;
	s11 =	sadd.s32 $0x2800, s9  }
0x11: {  	s12 =	sadd.s32 $0x5000, s9;
	s7 =	sadd.s32 s0, s26;
	s0 =	sadd.s32 s0, s30  }
0x12: {  	s13 =	sadd.s32 $0x7800, s9;
	s8 =	sadd.s32 $0x17700, s0;
	s0 =	sadd.s32 $0xBB800, s2  }
0x13: {  	v0 =	vimm.f32 $0.0e+00;
	s14 =	sadd.s32 $0xA000, s9;
	s26 =	simm.s32 $0x3;
	s24 =	sshrl.u32 @p1 s0, $0x3  }
.LBB2_1:
0x14: {  	s1 =	simm.s32 $0x240;
	s0 =	simm.s32 $0x40  }
.LBB2_2:
0x15: {  	p2 =	sne.s32 s1, $0x9FC0;
	[tilespmem:s0+$0x10040] =	vst v0;
	s17 =	smov.u32 s1;
	s1 =	sadd.s32 $0x140, s1  }
.Ltmp0:
0x16: {  	[tilespmem:s0+$0x10030] =	vst v0;
	(pc) =	sbr.rel @p2 .LBB2_2-.Ltmp0, $4  }
0x17: {  	[tilespmem:s0+$0x10020] =	vst v0  }
0x18: {  	[tilespmem:s0+$0x10000] =	vst v0  }
0x19: {  	[tilespmem:s0+$0x10010] =	vst v0  }
0x1a: {  	s0 =	sshra.s32 s17, $0x2  }
0x1b: {  	[tilespmem:s0+$0x10040] =	vst v0  }
0x1c: {  	[tilespmem:s0+$0x10030] =	vst v0  }
0x1d: {  	[tilespmem:s0+$0x10020] =	vst v0  }
0x1e: {  	[tilespmem:s0+$0x10000] =	vst v0  }
0x1f: {  	[tilespmem:s0+$0x10010] =	vst v0  }
0x20: {  	[spmem:s9] =	stream.linear.scatter [tilespmem:s15], [sflag:$0x5], $0x2800, $0x38;
	[tilespmem:$0x1F040] =	vst v63  }
0x21: {  	_ =	swait.ge [sflag:s16], $0x2800  }
0x22: {  	[sflag:s16] =	ssyncset.done $0x0  }
0x23: {  	[sflag:s16] =	ssyncadd.s32 $0xFFFFD800  }
0x24: {  	[spmem:s11] =	stream.linear.scatter [tilespmem:s15], [sflag:$0x5], $0x2800, $0x38;
	[tilespmem:$0x1F040] =	vst v63  }
0x25: {  	_ =	swait.ge [sflag:s16], $0x2800  }
0x26: {  	[sflag:s16] =	ssyncset.done $0x0  }
0x27: {  	[sflag:s16] =	ssyncadd.s32 $0xFFFFD800  }
0x28: {  	[spmem:s12] =	stream.linear.scatter [tilespmem:s15], [sflag:$0x5], $0x2800, $0x38;
	[tilespmem:$0x1F040] =	vst v63  }
0x29: {  	_ =	swait.ge [sflag:s16], $0x2800  }
0x2a: {  	[sflag:s16] =	ssyncset.done $0x0  }
0x2b: {  	[sflag:s16] =	ssyncadd.s32 $0xFFFFD800  }
0x2c: {  	[spmem:s13] =	stream.linear.scatter [tilespmem:s15], [sflag:$0x5], $0x2800, $0x38;
	[tilespmem:$0x1F040] =	vst v63  }
0x2d: {  	_ =	swait.ge [sflag:s16], $0x2800  }
0x2e: {  	[sflag:s16] =	ssyncset.done $0x0  }
0x2f: {  	[sflag:s16] =	ssyncadd.s32 $0xFFFFD800  }
0x30: {  	[spmem:s14] =	stream.linear.scatter [tilespmem:s15], [sflag:$0x5], $0x2800, $0x38;
	[tilespmem:$0x1F040] =	vst v63  }
0x31: {  	_ =	swait.ge [sflag:s16], $0x2800  }
0x32: {  	[sflag:s16] =	ssyncset.done $0x0  }
0x33: {  	[sflag:s16] =	ssyncadd.s32 $0xFFFFD800  }
0x34: {  	s1 =	simm.s32 $0x0;
	[bflag:$0x0] =	sbarrier.arrive $0xFFFF  }
0x35: {  	[tilespmem:s1], [sflag:$0x5] =	stream.linear.gather [hbm4b:s5+s1], $0x4E20, $0x38;
	[tilespmem:$0x1F040] =	vst v63  }
0x36: {  	_ =	swait.ge [sflag:s16], $0x4E20  }
0x37: {  	[sflag:s16] =	ssyncset.done $0x0  }
.Ltmp1:
0x38: {  	s31 =	simm.s32 $0x4E20;
	[sflag:s16] =	ssyncadd.s32 $0xFFFFB1E0;
	(pc) =	sbr.rel @p0 .LBB2_7-.Ltmp1, $4  }
0x39: {  	[tilespmem:s31], [sflag:$0x5] =	stream.linear.gather [hbm4b:s6+s1], $0x4E20, $0x38;
	[tilespmem:$0x1F040] =	vst v63  }
0x3a: {  	_ =	swait.ge [sflag:s16], $0x4E20  }
0x3b: {  	[sflag:s16] =	ssyncset.done $0x0  }
0x3c: {  	[sflag:s16] =	ssyncadd.s32 $0xFFFFB1E0  }
0x3d: {  	s0 =	sshra.s32 s1, $0x2;
	s1 =	sadd.s32 $0x40, s1  }
.LBB2_5:
0x3e: {  	p2 =	sne.s32 s1, $0x13840;
	v1 =	vld [tilespmem:s0+$0x0];
	_ =	sdelay $0x1  }
.Ltmp2:
0x3f: {  	(pc) =	sbr.rel @p2 .LBB2_5-.Ltmp2, $3  }
0x40: {  	_ =	sdelay $0x1  }
0x41: {  	v1 =	vadd.s32 $0x2710, v1  }
0x42: {  	[tilespmem:s0+$0x0] =	vst v1;
	s0 =	sshra.s32 s1, $0x2;
	s1 =	sadd.s32 $0x40, s1  }
0x43: {  	v1 =	vld [tilespmem:s0+$0x0];
	_ =	sdelay $0x4  }
0x44: {  	v1 =	vadd.s32 $0x2710, v1  }
0x45: {  	[tilespmem:s0+$0x0] =	vst v1  }
.LBB2_7:
0x46: {  	s0 =	simm.s32 $0x0  }
0x47: {  	[tilespmem:s19], [sflag:$0x1] =	stream.indirect.gather [hbm4b:s4+s18], $0x50, s0, s18, $0xb8;
	[tilespmem:$0x1F040] =	vst v63  }
0x48: {  	_ = 	snop  }
0x49: {  	[tilespmem:s20], [sflag:$0x1] =	stream.indirect.gather [hbm4b:s4+s18], $0x50, s18, s18, $0xb8;
	[tilespmem:$0x1F040] =	vst v63  }
0x4a: {  	s1 =	simm.s32 $0xA0  }
0x4b: {  	[tilespmem:s21], [sflag:$0x2] =	stream.indirect.gather [hbm4b:s4+s18], $0x50, s1, s18, $0xb8;
	[tilespmem:$0x1F040] =	vst v63  }
0x4c: {  	s17 =	simm.s32 $0xF0  }
0x4d: {  	[tilespmem:s22], [sflag:$0x2] =	stream.indirect.gather [hbm4b:s4+s18], $0x50, s17, s18, $0xb8;
	[tilespmem:$0x1F040] =	vst v63  }
0x4e: {  	_ =	swait.ge [sflag:s23], $0x1900  }
0x4f: {  	[sflag:s23] =	ssyncset.done $0x0  }
0x50: {  	[sflag:s23] =	ssyncadd.s32 $0xFFFFE700  }
0x51: {  	_ =	swait.ge [sflag:s23], $0x1900  }
0x52: {  	[sflag:s23] =	ssyncset.done $0x0  }
0x53: {  	s30 =	simm.s32 $0x4E20;
	[sflag:s23] =	ssyncadd.s32 $0xFFFFE700  }
0x54: {  	[spmem:s2] =	stream.indirect.scatter.add.f32 [tilespmem:s19], [sflag:$0x3], $0x50, s30, s18, $0xb8;
	[tilespmem:$0x1F040] =	vst v63  }
0x55: {  	s31 =	simm.s32 $0x4E70  }
0x56: {  	[spmem:s2] =	stream.indirect.scatter.add.f32 [tilespmem:s20], [sflag:$0x3], $0x50, s31, s18, $0xb8;
	[tilespmem:$0x1F040] =	vst v63  }
0x57: {  	_ =	swait.ge [sflag:s26], $0x1900  }
0x58: {  	[sflag:s26] =	ssyncset.done $0x0  }
0x59: {  	[sflag:s26] =	ssyncadd.s32 $0xFFFFE700  }
0x5a: {  	_ =	swait.ge [sflag:s26], $0x1900  }
0x5b: {  	[sflag:s26] =	ssyncset.done $0x0  }
0x5c: {  	s1 =	simm.s32 $0x140;
	[sflag:s26] =	ssyncadd.s32 $0xFFFFE700  }
0x5d: {  	[tilespmem:s19], [sflag:$0x1] =	stream.indirect.gather [hbm4b:s4+s18], $0x50, s1, s18, $0xb8;
	[tilespmem:$0x1F040] =	vst v63  }
0x5e: {  	s17 =	simm.s32 $0x190  }
0x5f: {  	[tilespmem:s20], [sflag:$0x1] =	stream.indirect.gather [hbm4b:s4+s18], $0x50, s17, s18, $0xb8;
	[tilespmem:$0x1F040] =	vst v63  }
0x60: {  	_ =	swait.ge [sflag:s28], $0x1900  }
0x61: {  	[sflag:s28] =	ssyncset.done $0x0  }
0x62: {  	[sflag:s28] =	ssyncadd.s32 $0xFFFFE700  }
0x63: {  	_ =	swait.ge [sflag:s28], $0x1900  }
0x64: {  	[sflag:s28] =	ssyncset.done $0x0  }
0x65: {  	s30 =	simm.s32 $0x4EC0;
	[sflag:s28] =	ssyncadd.s32 $0xFFFFE700  }
0x66: {  	[spmem:s2] =	stream.indirect.scatter.add.f32 [tilespmem:s21], [sflag:$0x4], $0x50, s30, s18, $0xb8;
	[tilespmem:$0x1F040] =	vst v63  }
0x67: {  	s31 =	simm.s32 $0x4F10  }
0x68: {  	[spmem:s2] =	stream.indirect.scatter.add.f32 [tilespmem:s22], [sflag:$0x4], $0x50, s31, s18, $0xb8;
	[tilespmem:$0x1F040] =	vst v63  }
0x69: {  	_ =	swait.ge [sflag:s29], $0x1900  }
0x6a: {  	[sflag:s29] =	ssyncset.done $0x0  }
0x6b: {  	[sflag:s29] =	ssyncadd.s32 $0xFFFFE700  }
0x6c: {  	_ =	swait.ge [sflag:s29], $0x1900  }
0x6d: {  	s0 =	simm.s32 $0x140;
	s17 =	simm.s32 $0xA00;
	[sflag:s29] =	ssyncset.done $0x0  }
.LBB2_8:
0x6e: {  	s31 =	sadd.s32 $0xA0, s0  }
0x6f: {  	[sflag:s29] =	ssyncadd.s32 $0xFFFFE700;
	s1 =	smov.u32 s17;
	s30 =	sadd.s32 $0x500, s17  }
0x70: {  	[tilespmem:s21], [sflag:$0x2] =	stream.indirect.gather [hbm4b:s4+s18], $0x50, s31, s18, $0xb8;
	[tilespmem:$0x1F040] =	vst v63  }
0x71: {  	p2 =	sne.s32 s17, $0x13100;
	s17 =	sadd.s32 $0xF0, s0  }
0x72: {  	[tilespmem:s22], [sflag:$0x2] =	stream.indirect.gather [hbm4b:s4+s18], $0x50, s17, s18, $0xb8;
	[tilespmem:$0x1F040] =	vst v63  }
0x73: {  	_ =	swait.ge [sflag:s23], $0x1900  }
0x74: {  	[sflag:s23] =	ssyncset.done $0x0  }
0x75: {  	[sflag:s23] =	ssyncadd.s32 $0xFFFFE700  }
0x76: {  	_ =	swait.ge [sflag:s23], $0x1900  }
0x77: {  	[sflag:s23] =	ssyncset.done $0x0  }
0x78: {  	s17 =	sadd.s32 $0x4E20, s0;
	[sflag:s23] =	ssyncadd.s32 $0xFFFFE700  }
0x79: {  	[spmem:s2] =	stream.indirect.scatter.add.f32 [tilespmem:s19], [sflag:$0x3], $0x50, s17, s18, $0xb8;
	[tilespmem:$0x1F040] =	vst v63  }
0x7a: {  	s17 =	sadd.s32 $0x4E70, s0  }
0x7b: {  	[spmem:s2] =	stream.indirect.scatter.add.f32 [tilespmem:s20], [sflag:$0x3], $0x50, s17, s18, $0xb8;
	[tilespmem:$0x1F040] =	vst v63  }
0x7c: {  	_ =	swait.ge [sflag:s26], $0x1900  }
0x7d: {  	[sflag:s26] =	ssyncset.done $0x0  }
0x7e: {  	[sflag:s26] =	ssyncadd.s32 $0xFFFFE700  }
0x7f: {  	_ =	swait.ge [sflag:s26], $0x1900  }
0x80: {  	[sflag:s26] =	ssyncset.done $0x0  }
0x81: {  	s17 =	sadd.s32 $0x140, s0;
	[sflag:s26] =	ssyncadd.s32 $0xFFFFE700  }
0x82: {  	[tilespmem:s19], [sflag:$0x1] =	stream.indirect.gather [hbm4b:s4+s18], $0x50, s17, s18, $0xb8;
	[tilespmem:$0x1F040] =	vst v63  }
0x83: {  	s17 =	sadd.s32 $0x190, s0  }
0x84: {  	[tilespmem:s20], [sflag:$0x1] =	stream.indirect.gather [hbm4b:s4+s18], $0x50, s17, s18, $0xb8;
	[tilespmem:$0x1F040] =	vst v63  }
0x85: {  	_ =	swait.ge [sflag:s28], $0x1900  }
0x86: {  	[sflag:s28] =	ssyncset.done $0x0  }
0x87: {  	[sflag:s28] =	ssyncadd.s32 $0xFFFFE700  }
0x88: {  	_ =	swait.ge [sflag:s28], $0x1900  }
0x89: {  	[sflag:s28] =	ssyncset.done $0x0  }
0x8a: {  	s17 =	sadd.s32 $0x4EC0, s0;
	[sflag:s28] =	ssyncadd.s32 $0xFFFFE700  }
0x8b: {  	[spmem:s2] =	stream.indirect.scatter.add.f32 [tilespmem:s21], [sflag:$0x4], $0x50, s17, s18, $0xb8;
	[tilespmem:$0x1F040] =	vst v63  }
0x8c: {  	s0 =	sadd.s32 $0x4F10, s0  }
0x8d: {  	[spmem:s2] =	stream.indirect.scatter.add.f32 [tilespmem:s22], [sflag:$0x4], $0x50, s0, s18, $0xb8;
	[tilespmem:$0x1F040] =	vst v63  }
.Ltmp3:
0x8e: {  	_ =	swait.ge [sflag:s29], $0x1900;
	(pc) =	sbr.rel @p2 .LBB2_8-.Ltmp3, $4  }
0x8f: {  	[sflag:s29] =	ssyncset.done $0x0  }
0x90: {  	[sflag:s29] =	ssyncadd.s32 $0xFFFFE700  }
0x91: {  	_ =	swait.ge [sflag:s29], $0x1900  }
0x92: {  	s17 =	smov.u32 s30;
	s0 =	sshra.s32 s1, $0x2;
	[sflag:s29] =	ssyncset.done $0x0  }
0x93: {  	s1 =	sadd.s32 $0xA0, s0;
	[sflag:s29] =	ssyncadd.s32 $0xFFFFE700  }
0x94: {  	[tilespmem:s21], [sflag:$0x2] =	stream.indirect.gather [hbm4b:s4+s18], $0x50, s1, s18, $0xb8;
	[tilespmem:$0x1F040] =	vst v63  }
0x95: {  	s17 =	sadd.s32 $0xF0, s0  }
0x96: {  	[tilespmem:s22], [sflag:$0x2] =	stream.indirect.gather [hbm4b:s4+s18], $0x50, s17, s18, $0xb8;
	[tilespmem:$0x1F040] =	vst v63  }
0x97: {  	_ =	swait.ge [sflag:s23], $0x1900  }
0x98: {  	[sflag:s23] =	ssyncset.done $0x0  }
0x99: {  	[sflag:s23] =	ssyncadd.s32 $0xFFFFE700  }
0x9a: {  	_ =	swait.ge [sflag:s23], $0x1900  }
0x9b: {  	[sflag:s23] =	ssyncset.done $0x0  }
0x9c: {  	s30 =	sadd.s32 $0x4E20, s0;
	[sflag:s23] =	ssyncadd.s32 $0xFFFFE700  }
0x9d: {  	[spmem:s2] =	stream.indirect.scatter.add.f32 [tilespmem:s19], [sflag:$0x3], $0x50, s30, s18, $0xb8;
	[tilespmem:$0x1F040] =	vst v63  }
0x9e: {  	s31 =	sadd.s32 $0x4E70, s0  }
0x9f: {  	[spmem:s2] =	stream.indirect.scatter.add.f32 [tilespmem:s20], [sflag:$0x3], $0x50, s31, s18, $0xb8;
	[tilespmem:$0x1F040] =	vst v63  }
0xa0: {  	_ =	swait.ge [sflag:s26], $0x1900  }
0xa1: {  	[sflag:s26] =	ssyncset.done $0x0  }
0xa2: {  	[sflag:s26] =	ssyncadd.s32 $0xFFFFE700  }
0xa3: {  	_ =	swait.ge [sflag:s26], $0x1900  }
0xa4: {  	[sflag:s26] =	ssyncset.done $0x0  }
0xa5: {  	s17 =	sadd.s32 $0x140, s0;
	[sflag:s26] =	ssyncadd.s32 $0xFFFFE700  }
0xa6: {  	[tilespmem:s19], [sflag:$0x1] =	stream.indirect.gather [hbm4b:s4+s18], $0x50, s17, s18, $0xb8;
	[tilespmem:$0x1F040] =	vst v63  }
0xa7: {  	s30 =	sadd.s32 $0x190, s0  }
0xa8: {  	[tilespmem:s20], [sflag:$0x1] =	stream.indirect.gather [hbm4b:s4+s18], $0x50, s30, s18, $0xb8;
	[tilespmem:$0x1F040] =	vst v63  }
0xa9: {  	_ =	swait.ge [sflag:s28], $0x1900  }
0xaa: {  	[sflag:s28] =	ssyncset.done $0x0  }
0xab: {  	[sflag:s28] =	ssyncadd.s32 $0xFFFFE700  }
0xac: {  	_ =	swait.ge [sflag:s28], $0x1900  }
0xad: {  	[sflag:s28] =	ssyncset.done $0x0  }
0xae: {  	s31 =	sadd.s32 $0x4EC0, s0;
	[sflag:s28] =	ssyncadd.s32 $0xFFFFE700  }
0xaf: {  	[spmem:s2] =	stream.indirect.scatter.add.f32 [tilespmem:s21], [sflag:$0x4], $0x50, s31, s18, $0xb8;
	[tilespmem:$0x1F040] =	vst v63  }
0xb0: {  	s17 =	sadd.s32 $0x4F10, s0  }
0xb1: {  	[spmem:s2] =	stream.indirect.scatter.add.f32 [tilespmem:s22], [sflag:$0x4], $0x50, s17, s18, $0xb8;
	[tilespmem:$0x1F040] =	vst v63  }
0xb2: {  	_ =	swait.ge [sflag:s29], $0x1900  }
0xb3: {  	[sflag:s29] =	ssyncset.done $0x0  }
0xb4: {  	[sflag:s29] =	ssyncadd.s32 $0xFFFFE700  }
0xb5: {  	_ =	swait.ge [sflag:s29], $0x1900  }
0xb6: {  	[sflag:s29] =	ssyncset.done $0x0  }
0xb7: {  	[sflag:s29] =	ssyncadd.s32 $0xFFFFE700  }
0xb8: {  	_ =	swait.ge [sflag:s23], $0x1900  }
0xb9: {  	[sflag:s23] =	ssyncset.done $0x0  }
0xba: {  	[sflag:s23] =	ssyncadd.s32 $0xFFFFE700  }
0xbb: {  	_ =	swait.ge [sflag:s23], $0x1900  }
0xbc: {  	[sflag:s23] =	ssyncset.done $0x0  }
0xbd: {  	s30 =	simm.s32 $0x9BA0;
	[sflag:s23] =	ssyncadd.s32 $0xFFFFE700  }
0xbe: {  	[spmem:s2] =	stream.indirect.scatter.add.f32 [tilespmem:s19], [sflag:$0x3], $0x50, s30, s18, $0xb8;
	[tilespmem:$0x1F040] =	vst v63  }
0xbf: {  	s31 =	simm.s32 $0x9BF0  }
0xc0: {  	[spmem:s2] =	stream.indirect.scatter.add.f32 [tilespmem:s20], [sflag:$0x3], $0x50, s31, s18, $0xb8;
	[tilespmem:$0x1F040] =	vst v63  }
0xc1: {  	_ =	swait.ge [sflag:s26], $0x1900  }
0xc2: {  	[sflag:s26] =	ssyncset.done $0x0  }
0xc3: {  	[sflag:s26] =	ssyncadd.s32 $0xFFFFE700  }
0xc4: {  	_ =	swait.ge [sflag:s26], $0x1900  }
0xc5: {  	[sflag:s26] =	ssyncset.done $0x0  }
0xc6: {  	[sflag:s26] =	ssyncadd.s32 $0xFFFFE700  }
0xc7: {  	s0 =	simm.s32 @p1 $0x1FC5;
	[bflag:$0x0] =	sbarrier.arrive $0xFFFF  }
0xc8: {  	[hbm:s8], [sflag:s0] =	dma.local @p1 [spmem:s24], $0xFA0  }
0xc9: {  	s0 =	simm.s32 @p1 $0x5  }
0xca: {  	s1 =	stileid.u32;
	_ =	swait.ge @p1 [sflag:s0], $0xFA0  }
0xcb: {  	s3 =	sadd.s32 $0x1, s3;
	s1 =	sshll.u32 @!p1 s1, $0x6;
	[sflag:s0] =	ssyncset.done @p1 $0x0  }
0xcc: {  	p2 =	sne.s32 s3, s10;
	[sflag:s0] =	ssyncadd.s32 @p1 $0xFFFFF060;
	s0 =	sor.u32 @!p1 $0x1C05, s1  }
0xcd: {  	[hbm:s7], [sflag:s0] =	dma.local @!p1 [spmem:s25], $0x1900  }
.Ltmp4:
0xce: {  	_ = 	snop;
	(pc) =	sbr.rel @p2 .LBB2_1-.Ltmp4, $4  }
0xcf: {  	s0 =	simm.s32 @!p1 $0x5  }
0xd0: {  	_ =	swait.ge @!p1 [sflag:s0], $0x1900  }
0xd1: {  	[sflag:s0] =	ssyncset.done @!p1 $0x0  }
0xd2: {  	[sflag:s0] =	ssyncadd.s32 @!p1 $0xFFFFE700  }
0xd3: {  	_ =	sfence.sel $0x180000  }
0xd4: {  	[bflag:$0x0] =	sbarrier.arrive $0xFFFF  }
0xd5: {  	_ =	strace $0x90000047  }
0xd6: {  	s0 =	stileid.u32;
	[bflag:$0x2] =	sbarrier.arrive $0xFFFF  }
0xd7: {  	p0 =	sne.s32 s0, $0x0;
	s0 =	rddreg [dreg:$0x3]  }
0xd8: {  	s0 =	sadd.s32 @!p0 $0x100000, s0  }
0xd9: {  	[sflag:s0] =	ssyncadd.tile.s32 @!p0 $0x1;
	_ =	shalt  }
.Lfunc_end2:
_tile_overlayer_lowered:
.L_overlay_start_2:
0xda: {  	(tag) =	ssettag $0x2  }
0xdb: {  	s0 =	rddreg [dreg:$0x0];
	s2 =	stileid.u32  }
0xdc: {  	s1 =	rddreg [dreg:$0x1];
	p0 =	sne.s32 s2, $0x0  }
0xdd: {  	s3 =	rddreg [dreg:$0x2];
	[bflag:$0x3] =	sbarrier.arrive $0xFFFF;
	s2 =	simm.s32 @!p0 $0x1C05  }
0xde: {  	[timem:s3], [sflag:s2] =	dma.local @!p0 [hbm:s0], s1  }
0xdf: {  	s0 =	simm.s32 @!p0 $0x5  }
0xe0: {  	_ =	swait.ge @!p0 [sflag:s0], s1  }
0xe1: {  	s1 =	ssub.s32 @!p0 $0x0, s1;
	[sflag:s0] =	ssyncset.done @!p0 $0x0  }
0xe2: {  	[sflag:s0] =	ssyncadd.s32 @!p0 s1  }
0xe3: {  	[bflag:$0x3] =	sbarrier.arrive $0xFFFF  }
0xe4: {  	_ =	shalt  }

</sc_bundles>
